<compile_context>
chip_gen: v7x
topology: tpu7x:2x2x1
jax: 0.10.2.dev20260603
libtpu: 0.0.44.dev20260713+nightly
codegen_flags: <defaults>
</compile_context>

<pallas_src>
import functools

import jax
import jax.numpy as jnp
from jax import lax
from jax.experimental import pallas as pl
from jax.experimental.pallas import tpu as pltpu
from jax.experimental.pallas import tpu_sc as plsc

MAX_LEN = 8192
D_MODEL = 1024
BATCH = 4
SEQ_LEN = 8192

NUM_CORES = 2
NUM_SUBCORES = 16
NW = NUM_CORES * NUM_SUBCORES
B_TOTAL = BATCH * SEQ_LEN
B_PER_W = B_TOTAL // NW

CHUNK = 8
NBUF = 8
K = 4
N_CHUNKS = B_PER_W // CHUNK
N_GROUPS = N_CHUNKS // NBUF


def _make_kernel():
    mesh = plsc.VectorSubcoreMesh(core_axis_name="c", subcore_axis_name="s")

    @functools.partial(
        pl.kernel,
        mesh=mesh,
        out_type=jax.ShapeDtypeStruct((B_TOTAL, D_MODEL), jnp.float32),
        scratch_types=[
            pltpu.VMEM((B_PER_W,), jnp.int32),
            *[pltpu.VMEM((CHUNK, D_MODEL), jnp.float32) for _ in range(NBUF)],
            *[pltpu.SemaphoreType.DMA for _ in range(2 * NBUF)],
        ],
    )
    def k(table_hbm, x_hbm, out_hbm, idx_v, *rest):
        bufs = rest[:NBUF]
        gsems = rest[NBUF : 2 * NBUF]
        wsems = rest[2 * NBUF : 3 * NBUF]

        wid = lax.axis_index("s") * NUM_CORES + lax.axis_index("c")
        base = wid * B_PER_W
        pltpu.sync_copy(x_hbm.at[pl.ds(base, B_PER_W)], idx_v)

        def gather(c, j):
            return pltpu.make_async_copy(
                table_hbm.at[idx_v.at[pl.ds(c * CHUNK, CHUNK)]], bufs[j], gsems[j]
            )

        def write(c, j):
            return pltpu.make_async_copy(
                bufs[j], out_hbm.at[pl.ds(base + c * CHUNK, CHUNK)], wsems[j]
            )

        def step(c, j, do_reuse):
            gather(c, j).wait()
            write(c, j).start()
            if do_reuse:
                jj = (j - K) % NBUF
                write(c - K, jj).wait()
                gather(c - K + NBUF, jj).start()

        for j in range(NBUF):
            gather(j, j).start()

        for j in range(NBUF):
            step(j, j, do_reuse=(j >= K))

        def body(g, carry):
            c0 = g * NBUF
            for j in range(NBUF):
                step(c0 + j, j, do_reuse=True)
            return carry

        lax.fori_loop(1, N_GROUPS - 1, body, 0)

        cL = (N_GROUPS - 1) * NBUF
        for j in range(NBUF):
            c = cL + j
            gather(c, j).wait()
            write(c, j).start()
            jj = (j - K) % NBUF
            write(c - K, jj).wait()
            if j < K:
                gather(c - K + NBUF, jj).start()

        for j in range(NBUF - K, NBUF):
            write(cL + j, j).wait()

    return k


_lookup = _make_kernel()


@jax.jit
def kernel(x, table):
    out = _lookup(table, x.reshape(B_TOTAL))
    return out.reshape(BATCH, SEQ_LEN, D_MODEL)

# --- scband reference (transcript-rebuilt; emitter-appended) ---
"""Pipeline reference for scband-sinusoidal-positional-embedding-17927193493921 (READ-ONLY COPY).

The authoritative reference and input builder live on the scoring server;
editing this copy changes nothing except your own understanding.
"""

import jax, jax.numpy as jnp
import numpy as np

MAX_LEN = 8192
D_MODEL = 1024
DENOM = 10000.0
BATCH = 4
SEQ_LEN = 8192


def _build_table(max_len=MAX_LEN, d_model=D_MODEL, denom=DENOM):
    pos = np.arange(max_len, dtype=np.float32)[:, None]
    div = np.exp(-np.arange(0, d_model, 2, dtype=np.float32) / d_model * np.log(denom))
    tab = np.zeros((max_len, d_model), dtype=np.float32)
    tab[:, 0::2] = np.sin(div * pos)
    tab[:, 1::2] = np.cos(div * pos)
    return jnp.asarray(tab)


def setup_inputs(seed: int = 0) -> dict:
    key = jax.random.key(seed)
    x = jax.random.randint(key, (BATCH, SEQ_LEN), 0, MAX_LEN, dtype=jnp.int32)
    table = _build_table()
    return {"x": x, "table": table}


def reference(x, table):
    # embedding lookup: gather rows of the sinusoidal table
    return jnp.take(table, x, axis=0)

if __name__ == "__main__":
    import jax
    _d = setup_inputs()
    print(jax.jit(kernel)(*tuple(_d.values())))

</pallas_src>

<mosaic_0001>
#map = affine_map<(d0, d1) -> (0, 0)>
#map1 = affine_map<(d0, d1) -> (0)>
module attributes {stable_mosaic.version = 14 : i64} {
  func.func @k(%arg0: i32, %arg1: i32, %arg2: memref<8192x1024xf32, #tpu.memory_space<hbm>>, %arg3: memref<32768xi32, #tpu.memory_space<hbm>>, %arg4: memref<32768x1024xf32, #tpu.memory_space<hbm>>, %arg5: memref<1024xi32, #tpu.memory_space<vmem>>, %arg6: memref<8x1024xf32, #tpu.memory_space<vmem>>, %arg7: memref<8x1024xf32, #tpu.memory_space<vmem>>, %arg8: memref<8x1024xf32, #tpu.memory_space<vmem>>, %arg9: memref<8x1024xf32, #tpu.memory_space<vmem>>, %arg10: memref<8x1024xf32, #tpu.memory_space<vmem>>, %arg11: memref<8x1024xf32, #tpu.memory_space<vmem>>, %arg12: memref<8x1024xf32, #tpu.memory_space<vmem>>, %arg13: memref<8x1024xf32, #tpu.memory_space<vmem>>, %arg14: memref<!tpu.dma_semaphore, #tpu.memory_space<semaphore_mem>>, %arg15: memref<!tpu.dma_semaphore, #tpu.memory_space<semaphore_mem>>, %arg16: memref<!tpu.dma_semaphore, #tpu.memory_space<semaphore_mem>>, %arg17: memref<!tpu.dma_semaphore, #tpu.memory_space<semaphore_mem>>, %arg18: memref<!tpu.dma_semaphore, #tpu.memory_space<semaphore_mem>>, %arg19: memref<!tpu.dma_semaphore, #tpu.memory_space<semaphore_mem>>, %arg20: memref<!tpu.dma_semaphore, #tpu.memory_space<semaphore_mem>>, %arg21: memref<!tpu.dma_semaphore, #tpu.memory_space<semaphore_mem>>, %arg22: memref<!tpu.dma_semaphore, #tpu.memory_space<semaphore_mem>>, %arg23: memref<!tpu.dma_semaphore, #tpu.memory_space<semaphore_mem>>, %arg24: memref<!tpu.dma_semaphore, #tpu.memory_space<semaphore_mem>>, %arg25: memref<!tpu.dma_semaphore, #tpu.memory_space<semaphore_mem>>, %arg26: memref<!tpu.dma_semaphore, #tpu.memory_space<semaphore_mem>>, %arg27: memref<!tpu.dma_semaphore, #tpu.memory_space<semaphore_mem>>, %arg28: memref<!tpu.dma_semaphore, #tpu.memory_space<semaphore_mem>>, %arg29: memref<!tpu.dma_semaphore, #tpu.memory_space<semaphore_mem>>) attributes {dimension_semantics = [#tpu.dimension_semantics<core_parallel>, #tpu.dimension_semantics<subcore_parallel>], iteration_bounds = array<i64: 2, 16>, scalar_prefetch = 0 : i64, scratch_operands = 25 : i64, tpu.core_type = #tpu.core_type<sc_vector_subcore>, window_params = [{transform_indices = #map}, {transform_indices = #map1}, {transform_indices = #map}]} {
    %mul3A = arith.constant 2 : i32
    %mul3A_0 = arith.muli %arg1, %mul3A : i32
    %add3A = arith.addi %mul3A_0, %arg0 : i32
    %mul3A_1 = arith.constant 1024 : i32
    %mul3A_2 = arith.muli %add3A, %mul3A_1 : i32
    "tpu.region"() ({
      %run_scoped3A = tpu.sem_alloc : memref<!tpu.dma_semaphore, #tpu.memory_space<semaphore_mem>>
      %dma_start3A_358 = tpu.memref_slice %arg3[%mul3A_2] : memref<32768xi32, #tpu.memory_space<hbm>> -> memref<1024xi32, #tpu.memory_space<hbm>>
      %dma_start3A_359 = tpu.memref_slice %arg3[%mul3A_2] : memref<32768xi32, #tpu.memory_space<hbm>> -> memref<1024xi32, #tpu.memory_space<hbm>>
      tpu.enqueue_dma source(%dma_start3A_359 : memref<1024xi32, #tpu.memory_space<hbm>>) target(%arg5 : memref<1024xi32, #tpu.memory_space<vmem>>) target_semaphore(%run_scoped3A : memref<!tpu.dma_semaphore, #tpu.memory_space<semaphore_mem>>)
      %dma_wait3A_360 = tpu.memref_slice %arg3[%mul3A_2] : memref<32768xi32, #tpu.memory_space<hbm>> -> memref<1024xi32, #tpu.memory_space<hbm>>
      %dma_wait3A_361 = tpu.memref_slice %arg3[%mul3A_2] : memref<32768xi32, #tpu.memory_space<hbm>> -> memref<1024xi32, #tpu.memory_space<hbm>>
      tpu.wait_dma2 semaphore(%run_scoped3A : memref<!tpu.dma_semaphore, #tpu.memory_space<semaphore_mem>>) src(%dma_wait3A_361 : memref<1024xi32, #tpu.memory_space<hbm>>) dst(%arg5 : memref<1024xi32, #tpu.memory_space<vmem>>)
      tpu.yield
    }) : () -> ()
    %dma_start3A = arith.constant 0 : i32
    %dma_start3A_3 = tpu.memref_slice %arg5[%dma_start3A] : memref<1024xi32, #tpu.memory_space<vmem>> -> memref<8xi32, #tpu.memory_space<vmem>>
    %dma_start3A_4 = arith.constant 0 : i32
    %dma_start3A_5 = arith.constant 0 : i32
    %dma_start3A_6 = tpu.memref_slice %arg2[%dma_start3A_4, %dma_start3A_5] : memref<8192x1024xf32, #tpu.memory_space<hbm>> -> memref<8192x1024xf32, #tpu.memory_space<hbm>>
    tpu.enqueue_indirect_dma source(%dma_start3A_6 : memref<8192x1024xf32, #tpu.memory_space<hbm>>) target(%arg6 : memref<8x1024xf32, #tpu.memory_space<vmem>>) offsets(%dma_start3A_3 : memref<8xi32, #tpu.memory_space<vmem>>) semaphore(%arg14 : memref<!tpu.dma_semaphore, #tpu.memory_space<semaphore_mem>>)
    %dma_start3A_7 = arith.constant 8 : i32
    %dma_start3A_8 = tpu.memref_slice %arg5[%dma_start3A_7] : memref<1024xi32, #tpu.memory_space<vmem>> -> memref<8xi32, #tpu.memory_space<vmem>>
    %dma_start3A_9 = arith.constant 0 : i32
    %dma_start3A_10 = arith.constant 0 : i32
    %dma_start3A_11 = tpu.memref_slice %arg2[%dma_start3A_9, %dma_start3A_10] : memref<8192x1024xf32, #tpu.memory_space<hbm>> -> memref<8192x1024xf32, #tpu.memory_space<hbm>>
    tpu.enqueue_indirect_dma source(%dma_start3A_11 : memref<8192x1024xf32, #tpu.memory_space<hbm>>) target(%arg7 : memref<8x1024xf32, #tpu.memory_space<vmem>>) offsets(%dma_start3A_8 : memref<8xi32, #tpu.memory_space<vmem>>) semaphore(%arg15 : memref<!tpu.dma_semaphore, #tpu.memory_space<semaphore_mem>>)
    %dma_start3A_12 = arith.constant 16 : i32
    %dma_start3A_13 = tpu.memref_slice %arg5[%dma_start3A_12] : memref<1024xi32, #tpu.memory_space<vmem>> -> memref<8xi32, #tpu.memory_space<vmem>>
    %dma_start3A_14 = arith.constant 0 : i32
    %dma_start3A_15 = arith.constant 0 : i32
    %dma_start3A_16 = tpu.memref_slice %arg2[%dma_start3A_14, %dma_start3A_15] : memref<8192x1024xf32, #tpu.memory_space<hbm>> -> memref<8192x1024xf32, #tpu.memory_space<hbm>>
    tpu.enqueue_indirect_dma source(%dma_start3A_16 : memref<8192x1024xf32, #tpu.memory_space<hbm>>) target(%arg8 : memref<8x1024xf32, #tpu.memory_space<vmem>>) offsets(%dma_start3A_13 : memref<8xi32, #tpu.memory_space<vmem>>) semaphore(%arg16 : memref<!tpu.dma_semaphore, #tpu.memory_space<semaphore_mem>>)
    %dma_start3A_17 = arith.constant 24 : i32
    %dma_start3A_18 = tpu.memref_slice %arg5[%dma_start3A_17] : memref<1024xi32, #tpu.memory_space<vmem>> -> memref<8xi32, #tpu.memory_space<vmem>>
    %dma_start3A_19 = arith.constant 0 : i32
    %dma_start3A_20 = arith.constant 0 : i32
    %dma_start3A_21 = tpu.memref_slice %arg2[%dma_start3A_19, %dma_start3A_20] : memref<8192x1024xf32, #tpu.memory_space<hbm>> -> memref<8192x1024xf32, #tpu.memory_space<hbm>>
    tpu.enqueue_indirect_dma source(%dma_start3A_21 : memref<8192x1024xf32, #tpu.memory_space<hbm>>) target(%arg9 : memref<8x1024xf32, #tpu.memory_space<vmem>>) offsets(%dma_start3A_18 : memref<8xi32, #tpu.memory_space<vmem>>) semaphore(%arg17 : memref<!tpu.dma_semaphore, #tpu.memory_space<semaphore_mem>>)
    %dma_start3A_22 = arith.constant 32 : i32
    %dma_start3A_23 = tpu.memref_slice %arg5[%dma_start3A_22] : memref<1024xi32, #tpu.memory_space<vmem>> -> memref<8xi32, #tpu.memory_space<vmem>>
    %dma_start3A_24 = arith.constant 0 : i32
    %dma_start3A_25 = arith.constant 0 : i32
    %dma_start3A_26 = tpu.memref_slice %arg2[%dma_start3A_24, %dma_start3A_25] : memref<8192x1024xf32, #tpu.memory_space<hbm>> -> memref<8192x1024xf32, #tpu.memory_space<hbm>>
    tpu.enqueue_indirect_dma source(%dma_start3A_26 : memref<8192x1024xf32, #tpu.memory_space<hbm>>) target(%arg10 : memref<8x1024xf32, #tpu.memory_space<vmem>>) offsets(%dma_start3A_23 : memref<8xi32, #tpu.memory_space<vmem>>) semaphore(%arg18 : memref<!tpu.dma_semaphore, #tpu.memory_space<semaphore_mem>>)
    %dma_start3A_27 = arith.constant 40 : i32
    %dma_start3A_28 = tpu.memref_slice %arg5[%dma_start3A_27] : memref<1024xi32, #tpu.memory_space<vmem>> -> memref<8xi32, #tpu.memory_space<vmem>>
    %dma_start3A_29 = arith.constant 0 : i32
    %dma_start3A_30 = arith.constant 0 : i32
    %dma_start3A_31 = tpu.memref_slice %arg2[%dma_start3A_29, %dma_start3A_30] : memref<8192x1024xf32, #tpu.memory_space<hbm>> -> memref<8192x1024xf32, #tpu.memory_space<hbm>>
    tpu.enqueue_indirect_dma source(%dma_start3A_31 : memref<8192x1024xf32, #tpu.memory_space<hbm>>) target(%arg11 : memref<8x1024xf32, #tpu.memory_space<vmem>>) offsets(%dma_start3A_28 : memref<8xi32, #tpu.memory_space<vmem>>) semaphore(%arg19 : memref<!tpu.dma_semaphore, #tpu.memory_space<semaphore_mem>>)
    %dma_start3A_32 = arith.constant 48 : i32
    %dma_start3A_33 = tpu.memref_slice %arg5[%dma_start3A_32] : memref<1024xi32, #tpu.memory_space<vmem>> -> memref<8xi32, #tpu.memory_space<vmem>>
    %dma_start3A_34 = arith.constant 0 : i32
    %dma_start3A_35 = arith.constant 0 : i32
    %dma_start3A_36 = tpu.memref_slice %arg2[%dma_start3A_34, %dma_start3A_35] : memref<8192x1024xf32, #tpu.memory_space<hbm>> -> memref<8192x1024xf32, #tpu.memory_space<hbm>>
    tpu.enqueue_indirect_dma source(%dma_start3A_36 : memref<8192x1024xf32, #tpu.memory_space<hbm>>) target(%arg12 : memref<8x1024xf32, #tpu.memory_space<vmem>>) offsets(%dma_start3A_33 : memref<8xi32, #tpu.memory_space<vmem>>) semaphore(%arg20 : memref<!tpu.dma_semaphore, #tpu.memory_space<semaphore_mem>>)
    %dma_start3A_37 = arith.constant 56 : i32
    %dma_start3A_38 = tpu.memref_slice %arg5[%dma_start3A_37] : memref<1024xi32, #tpu.memory_space<vmem>> -> memref<8xi32, #tpu.memory_space<vmem>>
    %dma_start3A_39 = arith.constant 0 : i32
    %dma_start3A_40 = arith.constant 0 : i32
    %dma_start3A_41 = tpu.memref_slice %arg2[%dma_start3A_39, %dma_start3A_40] : memref<8192x1024xf32, #tpu.memory_space<hbm>> -> memref<8192x1024xf32, #tpu.memory_space<hbm>>
    tpu.enqueue_indirect_dma source(%dma_start3A_41 : memref<8192x1024xf32, #tpu.memory_space<hbm>>) target(%arg13 : memref<8x1024xf32, #tpu.memory_space<vmem>>) offsets(%dma_start3A_38 : memref<8xi32, #tpu.memory_space<vmem>>) semaphore(%arg21 : memref<!tpu.dma_semaphore, #tpu.memory_space<semaphore_mem>>)
    %dma_wait3A = arith.constant 0 : i32
    %dma_wait3A_42 = tpu.memref_slice %arg5[%dma_wait3A] : memref<1024xi32, #tpu.memory_space<vmem>> -> memref<8xi32, #tpu.memory_space<vmem>>
    %dma_wait3A_43 = arith.constant 0 : i32
    %dma_wait3A_44 = arith.constant 0 : i32
    %dma_wait3A_45 = tpu.memref_slice %arg2[%dma_wait3A_43, %dma_wait3A_44] : memref<8192x1024xf32, #tpu.memory_space<hbm>> -> memref<8192x1024xf32, #tpu.memory_space<hbm>>
    tpu.wait_indirect_dma semaphore(%arg14 : memref<!tpu.dma_semaphore, #tpu.memory_space<semaphore_mem>>) src(%dma_wait3A_45 : memref<8192x1024xf32, #tpu.memory_space<hbm>>) dst(%arg6 : memref<8x1024xf32, #tpu.memory_space<vmem>>)
    %add3A_46 = arith.constant 0 : i32
    %add3A_47 = arith.addi %mul3A_2, %add3A_46 : i32
    %dma_start3A_48 = arith.constant 0 : i32
    %dma_start3A_49 = tpu.memref_slice %arg4[%add3A_47, %dma_start3A_48] : memref<32768x1024xf32, #tpu.memory_space<hbm>> -> memref<8x1024xf32, #tpu.memory_space<hbm>>
    %dma_start3A_50 = arith.constant 0 : i32
    %dma_start3A_51 = tpu.memref_slice %arg4[%add3A_47, %dma_start3A_50] : memref<32768x1024xf32, #tpu.memory_space<hbm>> -> memref<8x1024xf32, #tpu.memory_space<hbm>>
    tpu.enqueue_dma source(%arg6 : memref<8x1024xf32, #tpu.memory_space<vmem>>) target(%dma_start3A_51 : memref<8x1024xf32, #tpu.memory_space<hbm>>) target_semaphore(%arg22 : memref<!tpu.dma_semaphore, #tpu.memory_space<semaphore_mem>>)
    %dma_wait3A_52 = arith.constant 8 : i32
    %dma_wait3A_53 = tpu.memref_slice %arg5[%dma_wait3A_52] : memref<1024xi32, #tpu.memory_space<vmem>> -> memref<8xi32, #tpu.memory_space<vmem>>
    %dma_wait3A_54 = arith.constant 0 : i32
    %dma_wait3A_55 = arith.constant 0 : i32
    %dma_wait3A_56 = tpu.memref_slice %arg2[%dma_wait3A_54, %dma_wait3A_55] : memref<8192x1024xf32, #tpu.memory_space<hbm>> -> memref<8192x1024xf32, #tpu.memory_space<hbm>>
    tpu.wait_indirect_dma semaphore(%arg15 : memref<!tpu.dma_semaphore, #tpu.memory_space<semaphore_mem>>) src(%dma_wait3A_56 : memref<8192x1024xf32, #tpu.memory_space<hbm>>) dst(%arg7 : memref<8x1024xf32, #tpu.memory_space<vmem>>)
    %add3A_57 = arith.constant 8 : i32
    %add3A_58 = arith.addi %mul3A_2, %add3A_57 : i32
    %dma_start3A_59 = arith.constant 0 : i32
    %dma_start3A_60 = tpu.memref_slice %arg4[%add3A_58, %dma_start3A_59] : memref<32768x1024xf32, #tpu.memory_space<hbm>> -> memref<8x1024xf32, #tpu.memory_space<hbm>>
    %dma_start3A_61 = arith.constant 0 : i32
    %dma_start3A_62 = tpu.memref_slice %arg4[%add3A_58, %dma_start3A_61] : memref<32768x1024xf32, #tpu.memory_space<hbm>> -> memref<8x1024xf32, #tpu.memory_space<hbm>>
    tpu.enqueue_dma source(%arg7 : memref<8x1024xf32, #tpu.memory_space<vmem>>) target(%dma_start3A_62 : memref<8x1024xf32, #tpu.memory_space<hbm>>) target_semaphore(%arg23 : memref<!tpu.dma_semaphore, #tpu.memory_space<semaphore_mem>>)
    %dma_wait3A_63 = arith.constant 16 : i32
    %dma_wait3A_64 = tpu.memref_slice %arg5[%dma_wait3A_63] : memref<1024xi32, #tpu.memory_space<vmem>> -> memref<8xi32, #tpu.memory_space<vmem>>
    %dma_wait3A_65 = arith.constant 0 : i32
    %dma_wait3A_66 = arith.constant 0 : i32
    %dma_wait3A_67 = tpu.memref_slice %arg2[%dma_wait3A_65, %dma_wait3A_66] : memref<8192x1024xf32, #tpu.memory_space<hbm>> -> memref<8192x1024xf32, #tpu.memory_space<hbm>>
    tpu.wait_indirect_dma semaphore(%arg16 : memref<!tpu.dma_semaphore, #tpu.memory_space<semaphore_mem>>) src(%dma_wait3A_67 : memref<8192x1024xf32, #tpu.memory_space<hbm>>) dst(%arg8 : memref<8x1024xf32, #tpu.memory_space<vmem>>)
    %add3A_68 = arith.constant 16 : i32
    %add3A_69 = arith.addi %mul3A_2, %add3A_68 : i32
    %dma_start3A_70 = arith.constant 0 : i32
    %dma_start3A_71 = tpu.memref_slice %arg4[%add3A_69, %dma_start3A_70] : memref<32768x1024xf32, #tpu.memory_space<hbm>> -> memref<8x1024xf32, #tpu.memory_space<hbm>>
    %dma_start3A_72 = arith.constant 0 : i32
    %dma_start3A_73 = tpu.memref_slice %arg4[%add3A_69, %dma_start3A_72] : memref<32768x1024xf32, #tpu.memory_space<hbm>> -> memref<8x1024xf32, #tpu.memory_space<hbm>>
    tpu.enqueue_dma source(%arg8 : memref<8x1024xf32, #tpu.memory_space<vmem>>) target(%dma_start3A_73 : memref<8x1024xf32, #tpu.memory_space<hbm>>) target_semaphore(%arg24 : memref<!tpu.dma_semaphore, #tpu.memory_space<semaphore_mem>>)
    %dma_wait3A_74 = arith.constant 24 : i32
    %dma_wait3A_75 = tpu.memref_slice %arg5[%dma_wait3A_74] : memref<1024xi32, #tpu.memory_space<vmem>> -> memref<8xi32, #tpu.memory_space<vmem>>
    %dma_wait3A_76 = arith.constant 0 : i32
    %dma_wait3A_77 = arith.constant 0 : i32
    %dma_wait3A_78 = tpu.memref_slice %arg2[%dma_wait3A_76, %dma_wait3A_77] : memref<8192x1024xf32, #tpu.memory_space<hbm>> -> memref<8192x1024xf32, #tpu.memory_space<hbm>>
    tpu.wait_indirect_dma semaphore(%arg17 : memref<!tpu.dma_semaphore, #tpu.memory_space<semaphore_mem>>) src(%dma_wait3A_78 : memref<8192x1024xf32, #tpu.memory_space<hbm>>) dst(%arg9 : memref<8x1024xf32, #tpu.memory_space<vmem>>)
    %add3A_79 = arith.constant 24 : i32
    %add3A_80 = arith.addi %mul3A_2, %add3A_79 : i32
    %dma_start3A_81 = arith.constant 0 : i32
    %dma_start3A_82 = tpu.memref_slice %arg4[%add3A_80, %dma_start3A_81] : memref<32768x1024xf32, #tpu.memory_space<hbm>> -> memref<8x1024xf32, #tpu.memory_space<hbm>>
    %dma_start3A_83 = arith.constant 0 : i32
    %dma_start3A_84 = tpu.memref_slice %arg4[%add3A_80, %dma_start3A_83] : memref<32768x1024xf32, #tpu.memory_space<hbm>> -> memref<8x1024xf32, #tpu.memory_space<hbm>>
    tpu.enqueue_dma source(%arg9 : memref<8x1024xf32, #tpu.memory_space<vmem>>) target(%dma_start3A_84 : memref<8x1024xf32, #tpu.memory_space<hbm>>) target_semaphore(%arg25 : memref<!tpu.dma_semaphore, #tpu.memory_space<semaphore_mem>>)
    %dma_wait3A_85 = arith.constant 32 : i32
    %dma_wait3A_86 = tpu.memref_slice %arg5[%dma_wait3A_85] : memref<1024xi32, #tpu.memory_space<vmem>> -> memref<8xi32, #tpu.memory_space<vmem>>
    %dma_wait3A_87 = arith.constant 0 : i32
    %dma_wait3A_88 = arith.constant 0 : i32
    %dma_wait3A_89 = tpu.memref_slice %arg2[%dma_wait3A_87, %dma_wait3A_88] : memref<8192x1024xf32, #tpu.memory_space<hbm>> -> memref<8192x1024xf32, #tpu.memory_space<hbm>>
    tpu.wait_indirect_dma semaphore(%arg18 : memref<!tpu.dma_semaphore, #tpu.memory_space<semaphore_mem>>) src(%dma_wait3A_89 : memref<8192x1024xf32, #tpu.memory_space<hbm>>) dst(%arg10 : memref<8x1024xf32, #tpu.memory_space<vmem>>)
    %add3A_90 = arith.constant 32 : i32
    %add3A_91 = arith.addi %mul3A_2, %add3A_90 : i32
    %dma_start3A_92 = arith.constant 0 : i32
    %dma_start3A_93 = tpu.memref_slice %arg4[%add3A_91, %dma_start3A_92] : memref<32768x1024xf32, #tpu.memory_space<hbm>> -> memref<8x1024xf32, #tpu.memory_space<hbm>>
    %dma_start3A_94 = arith.constant 0 : i32
    %dma_start3A_95 = tpu.memref_slice %arg4[%add3A_91, %dma_start3A_94] : memref<32768x1024xf32, #tpu.memory_space<hbm>> -> memref<8x1024xf32, #tpu.memory_space<hbm>>
    tpu.enqueue_dma source(%arg10 : memref<8x1024xf32, #tpu.memory_space<vmem>>) target(%dma_start3A_95 : memref<8x1024xf32, #tpu.memory_space<hbm>>) target_semaphore(%arg26 : memref<!tpu.dma_semaphore, #tpu.memory_space<semaphore_mem>>)
    %add3A_96 = arith.constant 0 : i32
    %add3A_97 = arith.addi %mul3A_2, %add3A_96 : i32
    %dma_wait3A_98 = arith.constant 0 : i32
    %dma_wait3A_99 = tpu.memref_slice %arg4[%add3A_97, %dma_wait3A_98] : memref<32768x1024xf32, #tpu.memory_space<hbm>> -> memref<8x1024xf32, #tpu.memory_space<hbm>>
    %dma_wait3A_100 = arith.constant 0 : i32
    %dma_wait3A_101 = tpu.memref_slice %arg4[%add3A_97, %dma_wait3A_100] : memref<32768x1024xf32, #tpu.memory_space<hbm>> -> memref<8x1024xf32, #tpu.memory_space<hbm>>
    tpu.wait_dma2 semaphore(%arg22 : memref<!tpu.dma_semaphore, #tpu.memory_space<semaphore_mem>>) src(%arg6 : memref<8x1024xf32, #tpu.memory_space<vmem>>) dst(%dma_wait3A_101 : memref<8x1024xf32, #tpu.memory_space<hbm>>)
    %dma_start3A_102 = arith.constant 64 : i32
    %dma_start3A_103 = tpu.memref_slice %arg5[%dma_start3A_102] : memref<1024xi32, #tpu.memory_space<vmem>> -> memref<8xi32, #tpu.memory_space<vmem>>
    %dma_start3A_104 = arith.constant 0 : i32
    %dma_start3A_105 = arith.constant 0 : i32
    %dma_start3A_106 = tpu.memref_slice %arg2[%dma_start3A_104, %dma_start3A_105] : memref<8192x1024xf32, #tpu.memory_space<hbm>> -> memref<8192x1024xf32, #tpu.memory_space<hbm>>
    tpu.enqueue_indirect_dma source(%dma_start3A_106 : memref<8192x1024xf32, #tpu.memory_space<hbm>>) target(%arg6 : memref<8x1024xf32, #tpu.memory_space<vmem>>) offsets(%dma_start3A_103 : memref<8xi32, #tpu.memory_space<vmem>>) semaphore(%arg14 : memref<!tpu.dma_semaphore, #tpu.memory_space<semaphore_mem>>)
    %dma_wait3A_107 = arith.constant 40 : i32
    %dma_wait3A_108 = tpu.memref_slice %arg5[%dma_wait3A_107] : memref<1024xi32, #tpu.memory_space<vmem>> -> memref<8xi32, #tpu.memory_space<vmem>>
    %dma_wait3A_109 = arith.constant 0 : i32
    %dma_wait3A_110 = arith.constant 0 : i32
    %dma_wait3A_111 = tpu.memref_slice %arg2[%dma_wait3A_109, %dma_wait3A_110] : memref<8192x1024xf32, #tpu.memory_space<hbm>> -> memref<8192x1024xf32, #tpu.memory_space<hbm>>
    tpu.wait_indirect_dma semaphore(%arg19 : memref<!tpu.dma_semaphore, #tpu.memory_space<semaphore_mem>>) src(%dma_wait3A_111 : memref<8192x1024xf32, #tpu.memory_space<hbm>>) dst(%arg11 : memref<8x1024xf32, #tpu.memory_space<vmem>>)
    %add3A_112 = arith.constant 40 : i32
    %add3A_113 = arith.addi %mul3A_2, %add3A_112 : i32
    %dma_start3A_114 = arith.constant 0 : i32
    %dma_start3A_115 = tpu.memref_slice %arg4[%add3A_113, %dma_start3A_114] : memref<32768x1024xf32, #tpu.memory_space<hbm>> -> memref<8x1024xf32, #tpu.memory_space<hbm>>
    %dma_start3A_116 = arith.constant 0 : i32
    %dma_start3A_117 = tpu.memref_slice %arg4[%add3A_113, %dma_start3A_116] : memref<32768x1024xf32, #tpu.memory_space<hbm>> -> memref<8x1024xf32, #tpu.memory_space<hbm>>
    tpu.enqueue_dma source(%arg11 : memref<8x1024xf32, #tpu.memory_space<vmem>>) target(%dma_start3A_117 : memref<8x1024xf32, #tpu.memory_space<hbm>>) target_semaphore(%arg27 : memref<!tpu.dma_semaphore, #tpu.memory_space<semaphore_mem>>)
    %add3A_118 = arith.constant 8 : i32
    %add3A_119 = arith.addi %mul3A_2, %add3A_118 : i32
    %dma_wait3A_120 = arith.constant 0 : i32
    %dma_wait3A_121 = tpu.memref_slice %arg4[%add3A_119, %dma_wait3A_120] : memref<32768x1024xf32, #tpu.memory_space<hbm>> -> memref<8x1024xf32, #tpu.memory_space<hbm>>
    %dma_wait3A_122 = arith.constant 0 : i32
    %dma_wait3A_123 = tpu.memref_slice %arg4[%add3A_119, %dma_wait3A_122] : memref<32768x1024xf32, #tpu.memory_space<hbm>> -> memref<8x1024xf32, #tpu.memory_space<hbm>>
    tpu.wait_dma2 semaphore(%arg23 : memref<!tpu.dma_semaphore, #tpu.memory_space<semaphore_mem>>) src(%arg7 : memref<8x1024xf32, #tpu.memory_space<vmem>>) dst(%dma_wait3A_123 : memref<8x1024xf32, #tpu.memory_space<hbm>>)
    %dma_start3A_124 = arith.constant 72 : i32
    %dma_start3A_125 = tpu.memref_slice %arg5[%dma_start3A_124] : memref<1024xi32, #tpu.memory_space<vmem>> -> memref<8xi32, #tpu.memory_space<vmem>>
    %dma_start3A_126 = arith.constant 0 : i32
    %dma_start3A_127 = arith.constant 0 : i32
    %dma_start3A_128 = tpu.memref_slice %arg2[%dma_start3A_126, %dma_start3A_127] : memref<8192x1024xf32, #tpu.memory_space<hbm>> -> memref<8192x1024xf32, #tpu.memory_space<hbm>>
    tpu.enqueue_indirect_dma source(%dma_start3A_128 : memref<8192x1024xf32, #tpu.memory_space<hbm>>) target(%arg7 : memref<8x1024xf32, #tpu.memory_space<vmem>>) offsets(%dma_start3A_125 : memref<8xi32, #tpu.memory_space<vmem>>) semaphore(%arg15 : memref<!tpu.dma_semaphore, #tpu.memory_space<semaphore_mem>>)
    %dma_wait3A_129 = arith.constant 48 : i32
    %dma_wait3A_130 = tpu.memref_slice %arg5[%dma_wait3A_129] : memref<1024xi32, #tpu.memory_space<vmem>> -> memref<8xi32, #tpu.memory_space<vmem>>
    %dma_wait3A_131 = arith.constant 0 : i32
    %dma_wait3A_132 = arith.constant 0 : i32
    %dma_wait3A_133 = tpu.memref_slice %arg2[%dma_wait3A_131, %dma_wait3A_132] : memref<8192x1024xf32, #tpu.memory_space<hbm>> -> memref<8192x1024xf32, #tpu.memory_space<hbm>>
    tpu.wait_indirect_dma semaphore(%arg20 : memref<!tpu.dma_semaphore, #tpu.memory_space<semaphore_mem>>) src(%dma_wait3A_133 : memref<8192x1024xf32, #tpu.memory_space<hbm>>) dst(%arg12 : memref<8x1024xf32, #tpu.memory_space<vmem>>)
    %add3A_134 = arith.constant 48 : i32
    %add3A_135 = arith.addi %mul3A_2, %add3A_134 : i32
    %dma_start3A_136 = arith.constant 0 : i32
    %dma_start3A_137 = tpu.memref_slice %arg4[%add3A_135, %dma_start3A_136] : memref<32768x1024xf32, #tpu.memory_space<hbm>> -> memref<8x1024xf32, #tpu.memory_space<hbm>>
    %dma_start3A_138 = arith.constant 0 : i32
    %dma_start3A_139 = tpu.memref_slice %arg4[%add3A_135, %dma_start3A_138] : memref<32768x1024xf32, #tpu.memory_space<hbm>> -> memref<8x1024xf32, #tpu.memory_space<hbm>>
    tpu.enqueue_dma source(%arg12 : memref<8x1024xf32, #tpu.memory_space<vmem>>) target(%dma_start3A_139 : memref<8x1024xf32, #tpu.memory_space<hbm>>) target_semaphore(%arg28 : memref<!tpu.dma_semaphore, #tpu.memory_space<semaphore_mem>>)
    %add3A_140 = arith.constant 16 : i32
    %add3A_141 = arith.addi %mul3A_2, %add3A_140 : i32
    %dma_wait3A_142 = arith.constant 0 : i32
    %dma_wait3A_143 = tpu.memref_slice %arg4[%add3A_141, %dma_wait3A_142] : memref<32768x1024xf32, #tpu.memory_space<hbm>> -> memref<8x1024xf32, #tpu.memory_space<hbm>>
    %dma_wait3A_144 = arith.constant 0 : i32
    %dma_wait3A_145 = tpu.memref_slice %arg4[%add3A_141, %dma_wait3A_144] : memref<32768x1024xf32, #tpu.memory_space<hbm>> -> memref<8x1024xf32, #tpu.memory_space<hbm>>
    tpu.wait_dma2 semaphore(%arg24 : memref<!tpu.dma_semaphore, #tpu.memory_space<semaphore_mem>>) src(%arg8 : memref<8x1024xf32, #tpu.memory_space<vmem>>) dst(%dma_wait3A_145 : memref<8x1024xf32, #tpu.memory_space<hbm>>)
    %dma_start3A_146 = arith.constant 80 : i32
    %dma_start3A_147 = tpu.memref_slice %arg5[%dma_start3A_146] : memref<1024xi32, #tpu.memory_space<vmem>> -> memref<8xi32, #tpu.memory_space<vmem>>
    %dma_start3A_148 = arith.constant 0 : i32
    %dma_start3A_149 = arith.constant 0 : i32
    %dma_start3A_150 = tpu.memref_slice %arg2[%dma_start3A_148, %dma_start3A_149] : memref<8192x1024xf32, #tpu.memory_space<hbm>> -> memref<8192x1024xf32, #tpu.memory_space<hbm>>
    tpu.enqueue_indirect_dma source(%dma_start3A_150 : memref<8192x1024xf32, #tpu.memory_space<hbm>>) target(%arg8 : memref<8x1024xf32, #tpu.memory_space<vmem>>) offsets(%dma_start3A_147 : memref<8xi32, #tpu.memory_space<vmem>>) semaphore(%arg16 : memref<!tpu.dma_semaphore, #tpu.memory_space<semaphore_mem>>)
    %dma_wait3A_151 = arith.constant 56 : i32
    %dma_wait3A_152 = tpu.memref_slice %arg5[%dma_wait3A_151] : memref<1024xi32, #tpu.memory_space<vmem>> -> memref<8xi32, #tpu.memory_space<vmem>>
    %dma_wait3A_153 = arith.constant 0 : i32
    %dma_wait3A_154 = arith.constant 0 : i32
    %dma_wait3A_155 = tpu.memref_slice %arg2[%dma_wait3A_153, %dma_wait3A_154] : memref<8192x1024xf32, #tpu.memory_space<hbm>> -> memref<8192x1024xf32, #tpu.memory_space<hbm>>
    tpu.wait_indirect_dma semaphore(%arg21 : memref<!tpu.dma_semaphore, #tpu.memory_space<semaphore_mem>>) src(%dma_wait3A_155 : memref<8192x1024xf32, #tpu.memory_space<hbm>>) dst(%arg13 : memref<8x1024xf32, #tpu.memory_space<vmem>>)
    %add3A_156 = arith.constant 56 : i32
    %add3A_157 = arith.addi %mul3A_2, %add3A_156 : i32
    %dma_start3A_158 = arith.constant 0 : i32
    %dma_start3A_159 = tpu.memref_slice %arg4[%add3A_157, %dma_start3A_158] : memref<32768x1024xf32, #tpu.memory_space<hbm>> -> memref<8x1024xf32, #tpu.memory_space<hbm>>
    %dma_start3A_160 = arith.constant 0 : i32
    %dma_start3A_161 = tpu.memref_slice %arg4[%add3A_157, %dma_start3A_160] : memref<32768x1024xf32, #tpu.memory_space<hbm>> -> memref<8x1024xf32, #tpu.memory_space<hbm>>
    tpu.enqueue_dma source(%arg13 : memref<8x1024xf32, #tpu.memory_space<vmem>>) target(%dma_start3A_161 : memref<8x1024xf32, #tpu.memory_space<hbm>>) target_semaphore(%arg29 : memref<!tpu.dma_semaphore, #tpu.memory_space<semaphore_mem>>)
    %add3A_162 = arith.constant 24 : i32
    %add3A_163 = arith.addi %mul3A_2, %add3A_162 : i32
    %dma_wait3A_164 = arith.constant 0 : i32
    %dma_wait3A_165 = tpu.memref_slice %arg4[%add3A_163, %dma_wait3A_164] : memref<32768x1024xf32, #tpu.memory_space<hbm>> -> memref<8x1024xf32, #tpu.memory_space<hbm>>
    %dma_wait3A_166 = arith.constant 0 : i32
    %dma_wait3A_167 = tpu.memref_slice %arg4[%add3A_163, %dma_wait3A_166] : memref<32768x1024xf32, #tpu.memory_space<hbm>> -> memref<8x1024xf32, #tpu.memory_space<hbm>>
    tpu.wait_dma2 semaphore(%arg25 : memref<!tpu.dma_semaphore, #tpu.memory_space<semaphore_mem>>) src(%arg9 : memref<8x1024xf32, #tpu.memory_space<vmem>>) dst(%dma_wait3A_167 : memref<8x1024xf32, #tpu.memory_space<hbm>>)
    %dma_start3A_168 = arith.constant 88 : i32
    %dma_start3A_169 = tpu.memref_slice %arg5[%dma_start3A_168] : memref<1024xi32, #tpu.memory_space<vmem>> -> memref<8xi32, #tpu.memory_space<vmem>>
    %dma_start3A_170 = arith.constant 0 : i32
    %dma_start3A_171 = arith.constant 0 : i32
    %dma_start3A_172 = tpu.memref_slice %arg2[%dma_start3A_170, %dma_start3A_171] : memref<8192x1024xf32, #tpu.memory_space<hbm>> -> memref<8192x1024xf32, #tpu.memory_space<hbm>>
    tpu.enqueue_indirect_dma source(%dma_start3A_172 : memref<8192x1024xf32, #tpu.memory_space<hbm>>) target(%arg9 : memref<8x1024xf32, #tpu.memory_space<vmem>>) offsets(%dma_start3A_169 : memref<8xi32, #tpu.memory_space<vmem>>) semaphore(%arg17 : memref<!tpu.dma_semaphore, #tpu.memory_space<semaphore_mem>>)
    %scan3A = arith.constant 0 : i32
    %scan3A_173 = arith.constant 1 : i32
    %scan3A_174 = arith.constant 14 : i32
    %scan3A_175 = arith.addi %scan3A_173, %scan3A_174 : i32
    %scan3A_176 = arith.constant 1 : i32
    scf.for %scan3A_358 = %scan3A_173 to %scan3A_175 step %scan3A_176  : i32 {
      %mul3A_359 = arith.constant 8 : i32
      %mul3A_360 = arith.muli %scan3A_358, %mul3A_359 : i32
      %add3A_361 = arith.constant 0 : i32
      %add3A_362 = arith.addi %mul3A_360, %add3A_361 : i32
      %mul3A_363 = arith.constant 8 : i32
      %mul3A_364 = arith.muli %add3A_362, %mul3A_363 : i32
      %dma_wait3A_365 = tpu.memref_slice %arg5[%mul3A_364] : memref<1024xi32, #tpu.memory_space<vmem>> -> memref<8xi32, #tpu.memory_space<vmem>>
      %dma_wait3A_366 = arith.constant 0 : i32
      %dma_wait3A_367 = arith.constant 0 : i32
      %dma_wait3A_368 = tpu.memref_slice %arg2[%dma_wait3A_366, %dma_wait3A_367] : memref<8192x1024xf32, #tpu.memory_space<hbm>> -> memref<8192x1024xf32, #tpu.memory_space<hbm>>
      tpu.wait_indirect_dma semaphore(%arg14 : memref<!tpu.dma_semaphore, #tpu.memory_space<semaphore_mem>>) src(%dma_wait3A_368 : memref<8192x1024xf32, #tpu.memory_space<hbm>>) dst(%arg6 : memref<8x1024xf32, #tpu.memory_space<vmem>>)
      %mul3A_369 = arith.constant 8 : i32
      %mul3A_370 = arith.muli %add3A_362, %mul3A_369 : i32
      %add3A_371 = arith.addi %mul3A_2, %mul3A_370 : i32
      %dma_start3A_372 = arith.constant 0 : i32
      %dma_start3A_373 = tpu.memref_slice %arg4[%add3A_371, %dma_start3A_372] : memref<32768x1024xf32, #tpu.memory_space<hbm>> -> memref<8x1024xf32, #tpu.memory_space<hbm>>
      %dma_start3A_374 = arith.constant 0 : i32
      %dma_start3A_375 = tpu.memref_slice %arg4[%add3A_371, %dma_start3A_374] : memref<32768x1024xf32, #tpu.memory_space<hbm>> -> memref<8x1024xf32, #tpu.memory_space<hbm>>
      tpu.enqueue_dma source(%arg6 : memref<8x1024xf32, #tpu.memory_space<vmem>>) target(%dma_start3A_375 : memref<8x1024xf32, #tpu.memory_space<hbm>>) target_semaphore(%arg22 : memref<!tpu.dma_semaphore, #tpu.memory_space<semaphore_mem>>)
      %sub3A = arith.constant 4 : i32
      %sub3A_376 = arith.subi %add3A_362, %sub3A : i32
      %mul3A_377 = arith.constant 8 : i32
      %mul3A_378 = arith.muli %sub3A_376, %mul3A_377 : i32
      %add3A_379 = arith.addi %mul3A_2, %mul3A_378 : i32
      %dma_wait3A_380 = arith.constant 0 : i32
      %dma_wait3A_381 = tpu.memref_slice %arg4[%add3A_379, %dma_wait3A_380] : memref<32768x1024xf32, #tpu.memory_space<hbm>> -> memref<8x1024xf32, #tpu.memory_space<hbm>>
      %dma_wait3A_382 = arith.constant 0 : i32
      %dma_wait3A_383 = tpu.memref_slice %arg4[%add3A_379, %dma_wait3A_382] : memref<32768x1024xf32, #tpu.memory_space<hbm>> -> memref<8x1024xf32, #tpu.memory_space<hbm>>
      tpu.wait_dma2 semaphore(%arg26 : memref<!tpu.dma_semaphore, #tpu.memory_space<semaphore_mem>>) src(%arg10 : memref<8x1024xf32, #tpu.memory_space<vmem>>) dst(%dma_wait3A_383 : memref<8x1024xf32, #tpu.memory_space<hbm>>)
      %sub3A_384 = arith.constant 4 : i32
      %sub3A_385 = arith.subi %add3A_362, %sub3A_384 : i32
      %add3A_386 = arith.constant 8 : i32
      %add3A_387 = arith.addi %sub3A_385, %add3A_386 : i32
      %mul3A_388 = arith.constant 8 : i32
      %mul3A_389 = arith.muli %add3A_387, %mul3A_388 : i32
      %dma_start3A_390 = tpu.memref_slice %arg5[%mul3A_389] : memref<1024xi32, #tpu.memory_space<vmem>> -> memref<8xi32, #tpu.memory_space<vmem>>
      %dma_start3A_391 = arith.constant 0 : i32
      %dma_start3A_392 = arith.constant 0 : i32
      %dma_start3A_393 = tpu.memref_slice %arg2[%dma_start3A_391, %dma_start3A_392] : memref<8192x1024xf32, #tpu.memory_space<hbm>> -> memref<8192x1024xf32, #tpu.memory_space<hbm>>
      tpu.enqueue_indirect_dma source(%dma_start3A_393 : memref<8192x1024xf32, #tpu.memory_space<hbm>>) target(%arg10 : memref<8x1024xf32, #tpu.memory_space<vmem>>) offsets(%dma_start3A_390 : memref<8xi32, #tpu.memory_space<vmem>>) semaphore(%arg18 : memref<!tpu.dma_semaphore, #tpu.memory_space<semaphore_mem>>)
      %add3A_394 = arith.constant 1 : i32
      %add3A_395 = arith.addi %mul3A_360, %add3A_394 : i32
      %mul3A_396 = arith.constant 8 : i32
      %mul3A_397 = arith.muli %add3A_395, %mul3A_396 : i32
      %dma_wait3A_398 = tpu.memref_slice %arg5[%mul3A_397] : memref<1024xi32, #tpu.memory_space<vmem>> -> memref<8xi32, #tpu.memory_space<vmem>>
      %dma_wait3A_399 = arith.constant 0 : i32
      %dma_wait3A_400 = arith.constant 0 : i32
      %dma_wait3A_401 = tpu.memref_slice %arg2[%dma_wait3A_399, %dma_wait3A_400] : memref<8192x1024xf32, #tpu.memory_space<hbm>> -> memref<8192x1024xf32, #tpu.memory_space<hbm>>
      tpu.wait_indirect_dma semaphore(%arg15 : memref<!tpu.dma_semaphore, #tpu.memory_space<semaphore_mem>>) src(%dma_wait3A_401 : memref<8192x1024xf32, #tpu.memory_space<hbm>>) dst(%arg7 : memref<8x1024xf32, #tpu.memory_space<vmem>>)
      %mul3A_402 = arith.constant 8 : i32
      %mul3A_403 = arith.muli %add3A_395, %mul3A_402 : i32
      %add3A_404 = arith.addi %mul3A_2, %mul3A_403 : i32
      %dma_start3A_405 = arith.constant 0 : i32
      %dma_start3A_406 = tpu.memref_slice %arg4[%add3A_404, %dma_start3A_405] : memref<32768x1024xf32, #tpu.memory_space<hbm>> -> memref<8x1024xf32, #tpu.memory_space<hbm>>
      %dma_start3A_407 = arith.constant 0 : i32
      %dma_start3A_408 = tpu.memref_slice %arg4[%add3A_404, %dma_start3A_407] : memref<32768x1024xf32, #tpu.memory_space<hbm>> -> memref<8x1024xf32, #tpu.memory_space<hbm>>
      tpu.enqueue_dma source(%arg7 : memref<8x1024xf32, #tpu.memory_space<vmem>>) target(%dma_start3A_408 : memref<8x1024xf32, #tpu.memory_space<hbm>>) target_semaphore(%arg23 : memref<!tpu.dma_semaphore, #tpu.memory_space<semaphore_mem>>)
      %sub3A_409 = arith.constant 4 : i32
      %sub3A_410 = arith.subi %add3A_395, %sub3A_409 : i32
      %mul3A_411 = arith.constant 8 : i32
      %mul3A_412 = arith.muli %sub3A_410, %mul3A_411 : i32
      %add3A_413 = arith.addi %mul3A_2, %mul3A_412 : i32
      %dma_wait3A_414 = arith.constant 0 : i32
      %dma_wait3A_415 = tpu.memref_slice %arg4[%add3A_413, %dma_wait3A_414] : memref<32768x1024xf32, #tpu.memory_space<hbm>> -> memref<8x1024xf32, #tpu.memory_space<hbm>>
      %dma_wait3A_416 = arith.constant 0 : i32
      %dma_wait3A_417 = tpu.memref_slice %arg4[%add3A_413, %dma_wait3A_416] : memref<32768x1024xf32, #tpu.memory_space<hbm>> -> memref<8x1024xf32, #tpu.memory_space<hbm>>
      tpu.wait_dma2 semaphore(%arg27 : memref<!tpu.dma_semaphore, #tpu.memory_space<semaphore_mem>>) src(%arg11 : memref<8x1024xf32, #tpu.memory_space<vmem>>) dst(%dma_wait3A_417 : memref<8x1024xf32, #tpu.memory_space<hbm>>)
      %sub3A_418 = arith.constant 4 : i32
      %sub3A_419 = arith.subi %add3A_395, %sub3A_418 : i32
      %add3A_420 = arith.constant 8 : i32
      %add3A_421 = arith.addi %sub3A_419, %add3A_420 : i32
      %mul3A_422 = arith.constant 8 : i32
      %mul3A_423 = arith.muli %add3A_421, %mul3A_422 : i32
      %dma_start3A_424 = tpu.memref_slice %arg5[%mul3A_423] : memref<1024xi32, #tpu.memory_space<vmem>> -> memref<8xi32, #tpu.memory_space<vmem>>
      %dma_start3A_425 = arith.constant 0 : i32
      %dma_start3A_426 = arith.constant 0 : i32
      %dma_start3A_427 = tpu.memref_slice %arg2[%dma_start3A_425, %dma_start3A_426] : memref<8192x1024xf32, #tpu.memory_space<hbm>> -> memref<8192x1024xf32, #tpu.memory_space<hbm>>
      tpu.enqueue_indirect_dma source(%dma_start3A_427 : memref<8192x1024xf32, #tpu.memory_space<hbm>>) target(%arg11 : memref<8x1024xf32, #tpu.memory_space<vmem>>) offsets(%dma_start3A_424 : memref<8xi32, #tpu.memory_space<vmem>>) semaphore(%arg19 : memref<!tpu.dma_semaphore, #tpu.memory_space<semaphore_mem>>)
      %add3A_428 = arith.constant 2 : i32
      %add3A_429 = arith.addi %mul3A_360, %add3A_428 : i32
      %mul3A_430 = arith.constant 8 : i32
      %mul3A_431 = arith.muli %add3A_429, %mul3A_430 : i32
      %dma_wait3A_432 = tpu.memref_slice %arg5[%mul3A_431] : memref<1024xi32, #tpu.memory_space<vmem>> -> memref<8xi32, #tpu.memory_space<vmem>>
      %dma_wait3A_433 = arith.constant 0 : i32
      %dma_wait3A_434 = arith.constant 0 : i32
      %dma_wait3A_435 = tpu.memref_slice %arg2[%dma_wait3A_433, %dma_wait3A_434] : memref<8192x1024xf32, #tpu.memory_space<hbm>> -> memref<8192x1024xf32, #tpu.memory_space<hbm>>
      tpu.wait_indirect_dma semaphore(%arg16 : memref<!tpu.dma_semaphore, #tpu.memory_space<semaphore_mem>>) src(%dma_wait3A_435 : memref<8192x1024xf32, #tpu.memory_space<hbm>>) dst(%arg8 : memref<8x1024xf32, #tpu.memory_space<vmem>>)
      %mul3A_436 = arith.constant 8 : i32
      %mul3A_437 = arith.muli %add3A_429, %mul3A_436 : i32
      %add3A_438 = arith.addi %mul3A_2, %mul3A_437 : i32
      %dma_start3A_439 = arith.constant 0 : i32
      %dma_start3A_440 = tpu.memref_slice %arg4[%add3A_438, %dma_start3A_439] : memref<32768x1024xf32, #tpu.memory_space<hbm>> -> memref<8x1024xf32, #tpu.memory_space<hbm>>
      %dma_start3A_441 = arith.constant 0 : i32
      %dma_start3A_442 = tpu.memref_slice %arg4[%add3A_438, %dma_start3A_441] : memref<32768x1024xf32, #tpu.memory_space<hbm>> -> memref<8x1024xf32, #tpu.memory_space<hbm>>
      tpu.enqueue_dma source(%arg8 : memref<8x1024xf32, #tpu.memory_space<vmem>>) target(%dma_start3A_442 : memref<8x1024xf32, #tpu.memory_space<hbm>>) target_semaphore(%arg24 : memref<!tpu.dma_semaphore, #tpu.memory_space<semaphore_mem>>)
      %sub3A_443 = arith.constant 4 : i32
      %sub3A_444 = arith.subi %add3A_429, %sub3A_443 : i32
      %mul3A_445 = arith.constant 8 : i32
      %mul3A_446 = arith.muli %sub3A_444, %mul3A_445 : i32
      %add3A_447 = arith.addi %mul3A_2, %mul3A_446 : i32
      %dma_wait3A_448 = arith.constant 0 : i32
      %dma_wait3A_449 = tpu.memref_slice %arg4[%add3A_447, %dma_wait3A_448] : memref<32768x1024xf32, #tpu.memory_space<hbm>> -> memref<8x1024xf32, #tpu.memory_space<hbm>>
      %dma_wait3A_450 = arith.constant 0 : i32
      %dma_wait3A_451 = tpu.memref_slice %arg4[%add3A_447, %dma_wait3A_450] : memref<32768x1024xf32, #tpu.memory_space<hbm>> -> memref<8x1024xf32, #tpu.memory_space<hbm>>
      tpu.wait_dma2 semaphore(%arg28 : memref<!tpu.dma_semaphore, #tpu.memory_space<semaphore_mem>>) src(%arg12 : memref<8x1024xf32, #tpu.memory_space<vmem>>) dst(%dma_wait3A_451 : memref<8x1024xf32, #tpu.memory_space<hbm>>)
      %sub3A_452 = arith.constant 4 : i32
      %sub3A_453 = arith.subi %add3A_429, %sub3A_452 : i32
      %add3A_454 = arith.constant 8 : i32
      %add3A_455 = arith.addi %sub3A_453, %add3A_454 : i32
      %mul3A_456 = arith.constant 8 : i32
      %mul3A_457 = arith.muli %add3A_455, %mul3A_456 : i32
      %dma_start3A_458 = tpu.memref_slice %arg5[%mul3A_457] : memref<1024xi32, #tpu.memory_space<vmem>> -> memref<8xi32, #tpu.memory_space<vmem>>
      %dma_start3A_459 = arith.constant 0 : i32
      %dma_start3A_460 = arith.constant 0 : i32
      %dma_start3A_461 = tpu.memref_slice %arg2[%dma_start3A_459, %dma_start3A_460] : memref<8192x1024xf32, #tpu.memory_space<hbm>> -> memref<8192x1024xf32, #tpu.memory_space<hbm>>
      tpu.enqueue_indirect_dma source(%dma_start3A_461 : memref<8192x1024xf32, #tpu.memory_space<hbm>>) target(%arg12 : memref<8x1024xf32, #tpu.memory_space<vmem>>) offsets(%dma_start3A_458 : memref<8xi32, #tpu.memory_space<vmem>>) semaphore(%arg20 : memref<!tpu.dma_semaphore, #tpu.memory_space<semaphore_mem>>)
      %add3A_462 = arith.constant 3 : i32
      %add3A_463 = arith.addi %mul3A_360, %add3A_462 : i32
      %mul3A_464 = arith.constant 8 : i32
      %mul3A_465 = arith.muli %add3A_463, %mul3A_464 : i32
      %dma_wait3A_466 = tpu.memref_slice %arg5[%mul3A_465] : memref<1024xi32, #tpu.memory_space<vmem>> -> memref<8xi32, #tpu.memory_space<vmem>>
      %dma_wait3A_467 = arith.constant 0 : i32
      %dma_wait3A_468 = arith.constant 0 : i32
      %dma_wait3A_469 = tpu.memref_slice %arg2[%dma_wait3A_467, %dma_wait3A_468] : memref<8192x1024xf32, #tpu.memory_space<hbm>> -> memref<8192x1024xf32, #tpu.memory_space<hbm>>
      tpu.wait_indirect_dma semaphore(%arg17 : memref<!tpu.dma_semaphore, #tpu.memory_space<semaphore_mem>>) src(%dma_wait3A_469 : memref<8192x1024xf32, #tpu.memory_space<hbm>>) dst(%arg9 : memref<8x1024xf32, #tpu.memory_space<vmem>>)
      %mul3A_470 = arith.constant 8 : i32
      %mul3A_471 = arith.muli %add3A_463, %mul3A_470 : i32
      %add3A_472 = arith.addi %mul3A_2, %mul3A_471 : i32
      %dma_start3A_473 = arith.constant 0 : i32
      %dma_start3A_474 = tpu.memref_slice %arg4[%add3A_472, %dma_start3A_473] : memref<32768x1024xf32, #tpu.memory_space<hbm>> -> memref<8x1024xf32, #tpu.memory_space<hbm>>
      %dma_start3A_475 = arith.constant 0 : i32
      %dma_start3A_476 = tpu.memref_slice %arg4[%add3A_472, %dma_start3A_475] : memref<32768x1024xf32, #tpu.memory_space<hbm>> -> memref<8x1024xf32, #tpu.memory_space<hbm>>
      tpu.enqueue_dma source(%arg9 : memref<8x1024xf32, #tpu.memory_space<vmem>>) target(%dma_start3A_476 : memref<8x1024xf32, #tpu.memory_space<hbm>>) target_semaphore(%arg25 : memref<!tpu.dma_semaphore, #tpu.memory_space<semaphore_mem>>)
      %sub3A_477 = arith.constant 4 : i32
      %sub3A_478 = arith.subi %add3A_463, %sub3A_477 : i32
      %mul3A_479 = arith.constant 8 : i32
      %mul3A_480 = arith.muli %sub3A_478, %mul3A_479 : i32
      %add3A_481 = arith.addi %mul3A_2, %mul3A_480 : i32
      %dma_wait3A_482 = arith.constant 0 : i32
      %dma_wait3A_483 = tpu.memref_slice %arg4[%add3A_481, %dma_wait3A_482] : memref<32768x1024xf32, #tpu.memory_space<hbm>> -> memref<8x1024xf32, #tpu.memory_space<hbm>>
      %dma_wait3A_484 = arith.constant 0 : i32
      %dma_wait3A_485 = tpu.memref_slice %arg4[%add3A_481, %dma_wait3A_484] : memref<32768x1024xf32, #tpu.memory_space<hbm>> -> memref<8x1024xf32, #tpu.memory_space<hbm>>
      tpu.wait_dma2 semaphore(%arg29 : memref<!tpu.dma_semaphore, #tpu.memory_space<semaphore_mem>>) src(%arg13 : memref<8x1024xf32, #tpu.memory_space<vmem>>) dst(%dma_wait3A_485 : memref<8x1024xf32, #tpu.memory_space<hbm>>)
      %sub3A_486 = arith.constant 4 : i32
      %sub3A_487 = arith.subi %add3A_463, %sub3A_486 : i32
      %add3A_488 = arith.constant 8 : i32
      %add3A_489 = arith.addi %sub3A_487, %add3A_488 : i32
      %mul3A_490 = arith.constant 8 : i32
      %mul3A_491 = arith.muli %add3A_489, %mul3A_490 : i32
      %dma_start3A_492 = tpu.memref_slice %arg5[%mul3A_491] : memref<1024xi32, #tpu.memory_space<vmem>> -> memref<8xi32, #tpu.memory_space<vmem>>
      %dma_start3A_493 = arith.constant 0 : i32
      %dma_start3A_494 = arith.constant 0 : i32
      %dma_start3A_495 = tpu.memref_slice %arg2[%dma_start3A_493, %dma_start3A_494] : memref<8192x1024xf32, #tpu.memory_space<hbm>> -> memref<8192x1024xf32, #tpu.memory_space<hbm>>
      tpu.enqueue_indirect_dma source(%dma_start3A_495 : memref<8192x1024xf32, #tpu.memory_space<hbm>>) target(%arg13 : memref<8x1024xf32, #tpu.memory_space<vmem>>) offsets(%dma_start3A_492 : memref<8xi32, #tpu.memory_space<vmem>>) semaphore(%arg21 : memref<!tpu.dma_semaphore, #tpu.memory_space<semaphore_mem>>)
      %add3A_496 = arith.constant 4 : i32
      %add3A_497 = arith.addi %mul3A_360, %add3A_496 : i32
      %mul3A_498 = arith.constant 8 : i32
      %mul3A_499 = arith.muli %add3A_497, %mul3A_498 : i32
      %dma_wait3A_500 = tpu.memref_slice %arg5[%mul3A_499] : memref<1024xi32, #tpu.memory_space<vmem>> -> memref<8xi32, #tpu.memory_space<vmem>>
      %dma_wait3A_501 = arith.constant 0 : i32
      %dma_wait3A_502 = arith.constant 0 : i32
      %dma_wait3A_503 = tpu.memref_slice %arg2[%dma_wait3A_501, %dma_wait3A_502] : memref<8192x1024xf32, #tpu.memory_space<hbm>> -> memref<8192x1024xf32, #tpu.memory_space<hbm>>
      tpu.wait_indirect_dma semaphore(%arg18 : memref<!tpu.dma_semaphore, #tpu.memory_space<semaphore_mem>>) src(%dma_wait3A_503 : memref<8192x1024xf32, #tpu.memory_space<hbm>>) dst(%arg10 : memref<8x1024xf32, #tpu.memory_space<vmem>>)
      %mul3A_504 = arith.constant 8 : i32
      %mul3A_505 = arith.muli %add3A_497, %mul3A_504 : i32
      %add3A_506 = arith.addi %mul3A_2, %mul3A_505 : i32
      %dma_start3A_507 = arith.constant 0 : i32
      %dma_start3A_508 = tpu.memref_slice %arg4[%add3A_506, %dma_start3A_507] : memref<32768x1024xf32, #tpu.memory_space<hbm>> -> memref<8x1024xf32, #tpu.memory_space<hbm>>
      %dma_start3A_509 = arith.constant 0 : i32
      %dma_start3A_510 = tpu.memref_slice %arg4[%add3A_506, %dma_start3A_509] : memref<32768x1024xf32, #tpu.memory_space<hbm>> -> memref<8x1024xf32, #tpu.memory_space<hbm>>
      tpu.enqueue_dma source(%arg10 : memref<8x1024xf32, #tpu.memory_space<vmem>>) target(%dma_start3A_510 : memref<8x1024xf32, #tpu.memory_space<hbm>>) target_semaphore(%arg26 : memref<!tpu.dma_semaphore, #tpu.memory_space<semaphore_mem>>)
      %sub3A_511 = arith.constant 4 : i32
      %sub3A_512 = arith.subi %add3A_497, %sub3A_511 : i32
      %mul3A_513 = arith.constant 8 : i32
      %mul3A_514 = arith.muli %sub3A_512, %mul3A_513 : i32
      %add3A_515 = arith.addi %mul3A_2, %mul3A_514 : i32
      %dma_wait3A_516 = arith.constant 0 : i32
      %dma_wait3A_517 = tpu.memref_slice %arg4[%add3A_515, %dma_wait3A_516] : memref<32768x1024xf32, #tpu.memory_space<hbm>> -> memref<8x1024xf32, #tpu.memory_space<hbm>>
      %dma_wait3A_518 = arith.constant 0 : i32
      %dma_wait3A_519 = tpu.memref_slice %arg4[%add3A_515, %dma_wait3A_518] : memref<32768x1024xf32, #tpu.memory_space<hbm>> -> memref<8x1024xf32, #tpu.memory_space<hbm>>
      tpu.wait_dma2 semaphore(%arg22 : memref<!tpu.dma_semaphore, #tpu.memory_space<semaphore_mem>>) src(%arg6 : memref<8x1024xf32, #tpu.memory_space<vmem>>) dst(%dma_wait3A_519 : memref<8x1024xf32, #tpu.memory_space<hbm>>)
      %sub3A_520 = arith.constant 4 : i32
      %sub3A_521 = arith.subi %add3A_497, %sub3A_520 : i32
      %add3A_522 = arith.constant 8 : i32
      %add3A_523 = arith.addi %sub3A_521, %add3A_522 : i32
      %mul3A_524 = arith.constant 8 : i32
      %mul3A_525 = arith.muli %add3A_523, %mul3A_524 : i32
      %dma_start3A_526 = tpu.memref_slice %arg5[%mul3A_525] : memref<1024xi32, #tpu.memory_space<vmem>> -> memref<8xi32, #tpu.memory_space<vmem>>
      %dma_start3A_527 = arith.constant 0 : i32
      %dma_start3A_528 = arith.constant 0 : i32
      %dma_start3A_529 = tpu.memref_slice %arg2[%dma_start3A_527, %dma_start3A_528] : memref<8192x1024xf32, #tpu.memory_space<hbm>> -> memref<8192x1024xf32, #tpu.memory_space<hbm>>
      tpu.enqueue_indirect_dma source(%dma_start3A_529 : memref<8192x1024xf32, #tpu.memory_space<hbm>>) target(%arg6 : memref<8x1024xf32, #tpu.memory_space<vmem>>) offsets(%dma_start3A_526 : memref<8xi32, #tpu.memory_space<vmem>>) semaphore(%arg14 : memref<!tpu.dma_semaphore, #tpu.memory_space<semaphore_mem>>)
      %add3A_530 = arith.constant 5 : i32
      %add3A_531 = arith.addi %mul3A_360, %add3A_530 : i32
      %mul3A_532 = arith.constant 8 : i32
      %mul3A_533 = arith.muli %add3A_531, %mul3A_532 : i32
      %dma_wait3A_534 = tpu.memref_slice %arg5[%mul3A_533] : memref<1024xi32, #tpu.memory_space<vmem>> -> memref<8xi32, #tpu.memory_space<vmem>>
      %dma_wait3A_535 = arith.constant 0 : i32
      %dma_wait3A_536 = arith.constant 0 : i32
      %dma_wait3A_537 = tpu.memref_slice %arg2[%dma_wait3A_535, %dma_wait3A_536] : memref<8192x1024xf32, #tpu.memory_space<hbm>> -> memref<8192x1024xf32, #tpu.memory_space<hbm>>
      tpu.wait_indirect_dma semaphore(%arg19 : memref<!tpu.dma_semaphore, #tpu.memory_space<semaphore_mem>>) src(%dma_wait3A_537 : memref<8192x1024xf32, #tpu.memory_space<hbm>>) dst(%arg11 : memref<8x1024xf32, #tpu.memory_space<vmem>>)
      %mul3A_538 = arith.constant 8 : i32
      %mul3A_539 = arith.muli %add3A_531, %mul3A_538 : i32
      %add3A_540 = arith.addi %mul3A_2, %mul3A_539 : i32
      %dma_start3A_541 = arith.constant 0 : i32
      %dma_start3A_542 = tpu.memref_slice %arg4[%add3A_540, %dma_start3A_541] : memref<32768x1024xf32, #tpu.memory_space<hbm>> -> memref<8x1024xf32, #tpu.memory_space<hbm>>
      %dma_start3A_543 = arith.constant 0 : i32
      %dma_start3A_544 = tpu.memref_slice %arg4[%add3A_540, %dma_start3A_543] : memref<32768x1024xf32, #tpu.memory_space<hbm>> -> memref<8x1024xf32, #tpu.memory_space<hbm>>
      tpu.enqueue_dma source(%arg11 : memref<8x1024xf32, #tpu.memory_space<vmem>>) target(%dma_start3A_544 : memref<8x1024xf32, #tpu.memory_space<hbm>>) target_semaphore(%arg27 : memref<!tpu.dma_semaphore, #tpu.memory_space<semaphore_mem>>)
      %sub3A_545 = arith.constant 4 : i32
      %sub3A_546 = arith.subi %add3A_531, %sub3A_545 : i32
      %mul3A_547 = arith.constant 8 : i32
      %mul3A_548 = arith.muli %sub3A_546, %mul3A_547 : i32
      %add3A_549 = arith.addi %mul3A_2, %mul3A_548 : i32
      %dma_wait3A_550 = arith.constant 0 : i32
      %dma_wait3A_551 = tpu.memref_slice %arg4[%add3A_549, %dma_wait3A_550] : memref<32768x1024xf32, #tpu.memory_space<hbm>> -> memref<8x1024xf32, #tpu.memory_space<hbm>>
      %dma_wait3A_552 = arith.constant 0 : i32
      %dma_wait3A_553 = tpu.memref_slice %arg4[%add3A_549, %dma_wait3A_552] : memref<32768x1024xf32, #tpu.memory_space<hbm>> -> memref<8x1024xf32, #tpu.memory_space<hbm>>
      tpu.wait_dma2 semaphore(%arg23 : memref<!tpu.dma_semaphore, #tpu.memory_space<semaphore_mem>>) src(%arg7 : memref<8x1024xf32, #tpu.memory_space<vmem>>) dst(%dma_wait3A_553 : memref<8x1024xf32, #tpu.memory_space<hbm>>)
      %sub3A_554 = arith.constant 4 : i32
      %sub3A_555 = arith.subi %add3A_531, %sub3A_554 : i32
      %add3A_556 = arith.constant 8 : i32
      %add3A_557 = arith.addi %sub3A_555, %add3A_556 : i32
      %mul3A_558 = arith.constant 8 : i32
      %mul3A_559 = arith.muli %add3A_557, %mul3A_558 : i32
      %dma_start3A_560 = tpu.memref_slice %arg5[%mul3A_559] : memref<1024xi32, #tpu.memory_space<vmem>> -> memref<8xi32, #tpu.memory_space<vmem>>
      %dma_start3A_561 = arith.constant 0 : i32
      %dma_start3A_562 = arith.constant 0 : i32
      %dma_start3A_563 = tpu.memref_slice %arg2[%dma_start3A_561, %dma_start3A_562] : memref<8192x1024xf32, #tpu.memory_space<hbm>> -> memref<8192x1024xf32, #tpu.memory_space<hbm>>
      tpu.enqueue_indirect_dma source(%dma_start3A_563 : memref<8192x1024xf32, #tpu.memory_space<hbm>>) target(%arg7 : memref<8x1024xf32, #tpu.memory_space<vmem>>) offsets(%dma_start3A_560 : memref<8xi32, #tpu.memory_space<vmem>>) semaphore(%arg15 : memref<!tpu.dma_semaphore, #tpu.memory_space<semaphore_mem>>)
      %add3A_564 = arith.constant 6 : i32
      %add3A_565 = arith.addi %mul3A_360, %add3A_564 : i32
      %mul3A_566 = arith.constant 8 : i32
      %mul3A_567 = arith.muli %add3A_565, %mul3A_566 : i32
      %dma_wait3A_568 = tpu.memref_slice %arg5[%mul3A_567] : memref<1024xi32, #tpu.memory_space<vmem>> -> memref<8xi32, #tpu.memory_space<vmem>>
      %dma_wait3A_569 = arith.constant 0 : i32
      %dma_wait3A_570 = arith.constant 0 : i32
      %dma_wait3A_571 = tpu.memref_slice %arg2[%dma_wait3A_569, %dma_wait3A_570] : memref<8192x1024xf32, #tpu.memory_space<hbm>> -> memref<8192x1024xf32, #tpu.memory_space<hbm>>
      tpu.wait_indirect_dma semaphore(%arg20 : memref<!tpu.dma_semaphore, #tpu.memory_space<semaphore_mem>>) src(%dma_wait3A_571 : memref<8192x1024xf32, #tpu.memory_space<hbm>>) dst(%arg12 : memref<8x1024xf32, #tpu.memory_space<vmem>>)
      %mul3A_572 = arith.constant 8 : i32
      %mul3A_573 = arith.muli %add3A_565, %mul3A_572 : i32
      %add3A_574 = arith.addi %mul3A_2, %mul3A_573 : i32
      %dma_start3A_575 = arith.constant 0 : i32
      %dma_start3A_576 = tpu.memref_slice %arg4[%add3A_574, %dma_start3A_575] : memref<32768x1024xf32, #tpu.memory_space<hbm>> -> memref<8x1024xf32, #tpu.memory_space<hbm>>
      %dma_start3A_577 = arith.constant 0 : i32
      %dma_start3A_578 = tpu.memref_slice %arg4[%add3A_574, %dma_start3A_577] : memref<32768x1024xf32, #tpu.memory_space<hbm>> -> memref<8x1024xf32, #tpu.memory_space<hbm>>
      tpu.enqueue_dma source(%arg12 : memref<8x1024xf32, #tpu.memory_space<vmem>>) target(%dma_start3A_578 : memref<8x1024xf32, #tpu.memory_space<hbm>>) target_semaphore(%arg28 : memref<!tpu.dma_semaphore, #tpu.memory_space<semaphore_mem>>)
      %sub3A_579 = arith.constant 4 : i32
      %sub3A_580 = arith.subi %add3A_565, %sub3A_579 : i32
      %mul3A_581 = arith.constant 8 : i32
      %mul3A_582 = arith.muli %sub3A_580, %mul3A_581 : i32
      %add3A_583 = arith.addi %mul3A_2, %mul3A_582 : i32
      %dma_wait3A_584 = arith.constant 0 : i32
      %dma_wait3A_585 = tpu.memref_slice %arg4[%add3A_583, %dma_wait3A_584] : memref<32768x1024xf32, #tpu.memory_space<hbm>> -> memref<8x1024xf32, #tpu.memory_space<hbm>>
      %dma_wait3A_586 = arith.constant 0 : i32
      %dma_wait3A_587 = tpu.memref_slice %arg4[%add3A_583, %dma_wait3A_586] : memref<32768x1024xf32, #tpu.memory_space<hbm>> -> memref<8x1024xf32, #tpu.memory_space<hbm>>
      tpu.wait_dma2 semaphore(%arg24 : memref<!tpu.dma_semaphore, #tpu.memory_space<semaphore_mem>>) src(%arg8 : memref<8x1024xf32, #tpu.memory_space<vmem>>) dst(%dma_wait3A_587 : memref<8x1024xf32, #tpu.memory_space<hbm>>)
      %sub3A_588 = arith.constant 4 : i32
      %sub3A_589 = arith.subi %add3A_565, %sub3A_588 : i32
      %add3A_590 = arith.constant 8 : i32
      %add3A_591 = arith.addi %sub3A_589, %add3A_590 : i32
      %mul3A_592 = arith.constant 8 : i32
      %mul3A_593 = arith.muli %add3A_591, %mul3A_592 : i32
      %dma_start3A_594 = tpu.memref_slice %arg5[%mul3A_593] : memref<1024xi32, #tpu.memory_space<vmem>> -> memref<8xi32, #tpu.memory_space<vmem>>
      %dma_start3A_595 = arith.constant 0 : i32
      %dma_start3A_596 = arith.constant 0 : i32
      %dma_start3A_597 = tpu.memref_slice %arg2[%dma_start3A_595, %dma_start3A_596] : memref<8192x1024xf32, #tpu.memory_space<hbm>> -> memref<8192x1024xf32, #tpu.memory_space<hbm>>
      tpu.enqueue_indirect_dma source(%dma_start3A_597 : memref<8192x1024xf32, #tpu.memory_space<hbm>>) target(%arg8 : memref<8x1024xf32, #tpu.memory_space<vmem>>) offsets(%dma_start3A_594 : memref<8xi32, #tpu.memory_space<vmem>>) semaphore(%arg16 : memref<!tpu.dma_semaphore, #tpu.memory_space<semaphore_mem>>)
      %add3A_598 = arith.constant 7 : i32
      %add3A_599 = arith.addi %mul3A_360, %add3A_598 : i32
      %mul3A_600 = arith.constant 8 : i32
      %mul3A_601 = arith.muli %add3A_599, %mul3A_600 : i32
      %dma_wait3A_602 = tpu.memref_slice %arg5[%mul3A_601] : memref<1024xi32, #tpu.memory_space<vmem>> -> memref<8xi32, #tpu.memory_space<vmem>>
      %dma_wait3A_603 = arith.constant 0 : i32
      %dma_wait3A_604 = arith.constant 0 : i32
      %dma_wait3A_605 = tpu.memref_slice %arg2[%dma_wait3A_603, %dma_wait3A_604] : memref<8192x1024xf32, #tpu.memory_space<hbm>> -> memref<8192x1024xf32, #tpu.memory_space<hbm>>
      tpu.wait_indirect_dma semaphore(%arg21 : memref<!tpu.dma_semaphore, #tpu.memory_space<semaphore_mem>>) src(%dma_wait3A_605 : memref<8192x1024xf32, #tpu.memory_space<hbm>>) dst(%arg13 : memref<8x1024xf32, #tpu.memory_space<vmem>>)
      %mul3A_606 = arith.constant 8 : i32
      %mul3A_607 = arith.muli %add3A_599, %mul3A_606 : i32
      %add3A_608 = arith.addi %mul3A_2, %mul3A_607 : i32
      %dma_start3A_609 = arith.constant 0 : i32
      %dma_start3A_610 = tpu.memref_slice %arg4[%add3A_608, %dma_start3A_609] : memref<32768x1024xf32, #tpu.memory_space<hbm>> -> memref<8x1024xf32, #tpu.memory_space<hbm>>
      %dma_start3A_611 = arith.constant 0 : i32
      %dma_start3A_612 = tpu.memref_slice %arg4[%add3A_608, %dma_start3A_611] : memref<32768x1024xf32, #tpu.memory_space<hbm>> -> memref<8x1024xf32, #tpu.memory_space<hbm>>
      tpu.enqueue_dma source(%arg13 : memref<8x1024xf32, #tpu.memory_space<vmem>>) target(%dma_start3A_612 : memref<8x1024xf32, #tpu.memory_space<hbm>>) target_semaphore(%arg29 : memref<!tpu.dma_semaphore, #tpu.memory_space<semaphore_mem>>)
      %sub3A_613 = arith.constant 4 : i32
      %sub3A_614 = arith.subi %add3A_599, %sub3A_613 : i32
      %mul3A_615 = arith.constant 8 : i32
      %mul3A_616 = arith.muli %sub3A_614, %mul3A_615 : i32
      %add3A_617 = arith.addi %mul3A_2, %mul3A_616 : i32
      %dma_wait3A_618 = arith.constant 0 : i32
      %dma_wait3A_619 = tpu.memref_slice %arg4[%add3A_617, %dma_wait3A_618] : memref<32768x1024xf32, #tpu.memory_space<hbm>> -> memref<8x1024xf32, #tpu.memory_space<hbm>>
      %dma_wait3A_620 = arith.constant 0 : i32
      %dma_wait3A_621 = tpu.memref_slice %arg4[%add3A_617, %dma_wait3A_620] : memref<32768x1024xf32, #tpu.memory_space<hbm>> -> memref<8x1024xf32, #tpu.memory_space<hbm>>
      tpu.wait_dma2 semaphore(%arg25 : memref<!tpu.dma_semaphore, #tpu.memory_space<semaphore_mem>>) src(%arg9 : memref<8x1024xf32, #tpu.memory_space<vmem>>) dst(%dma_wait3A_621 : memref<8x1024xf32, #tpu.memory_space<hbm>>)
      %sub3A_622 = arith.constant 4 : i32
      %sub3A_623 = arith.subi %add3A_599, %sub3A_622 : i32
      %add3A_624 = arith.constant 8 : i32
      %add3A_625 = arith.addi %sub3A_623, %add3A_624 : i32
      %mul3A_626 = arith.constant 8 : i32
      %mul3A_627 = arith.muli %add3A_625, %mul3A_626 : i32
      %dma_start3A_628 = tpu.memref_slice %arg5[%mul3A_627] : memref<1024xi32, #tpu.memory_space<vmem>> -> memref<8xi32, #tpu.memory_space<vmem>>
      %dma_start3A_629 = arith.constant 0 : i32
      %dma_start3A_630 = arith.constant 0 : i32
      %dma_start3A_631 = tpu.memref_slice %arg2[%dma_start3A_629, %dma_start3A_630] : memref<8192x1024xf32, #tpu.memory_space<hbm>> -> memref<8192x1024xf32, #tpu.memory_space<hbm>>
      tpu.enqueue_indirect_dma source(%dma_start3A_631 : memref<8192x1024xf32, #tpu.memory_space<hbm>>) target(%arg9 : memref<8x1024xf32, #tpu.memory_space<vmem>>) offsets(%dma_start3A_628 : memref<8xi32, #tpu.memory_space<vmem>>) semaphore(%arg17 : memref<!tpu.dma_semaphore, #tpu.memory_space<semaphore_mem>>)
    }
    %scan3A_177 = arith.constant 14 : i32
    %dma_wait3A_178 = arith.constant 960 : i32
    %dma_wait3A_179 = tpu.memref_slice %arg5[%dma_wait3A_178] : memref<1024xi32, #tpu.memory_space<vmem>> -> memref<8xi32, #tpu.memory_space<vmem>>
    %dma_wait3A_180 = arith.constant 0 : i32
    %dma_wait3A_181 = arith.constant 0 : i32
    %dma_wait3A_182 = tpu.memref_slice %arg2[%dma_wait3A_180, %dma_wait3A_181] : memref<8192x1024xf32, #tpu.memory_space<hbm>> -> memref<8192x1024xf32, #tpu.memory_space<hbm>>
    tpu.wait_indirect_dma semaphore(%arg14 : memref<!tpu.dma_semaphore, #tpu.memory_space<semaphore_mem>>) src(%dma_wait3A_182 : memref<8192x1024xf32, #tpu.memory_space<hbm>>) dst(%arg6 : memref<8x1024xf32, #tpu.memory_space<vmem>>)
    %add3A_183 = arith.constant 960 : i32
    %add3A_184 = arith.addi %mul3A_2, %add3A_183 : i32
    %dma_start3A_185 = arith.constant 0 : i32
    %dma_start3A_186 = tpu.memref_slice %arg4[%add3A_184, %dma_start3A_185] : memref<32768x1024xf32, #tpu.memory_space<hbm>> -> memref<8x1024xf32, #tpu.memory_space<hbm>>
    %dma_start3A_187 = arith.constant 0 : i32
    %dma_start3A_188 = tpu.memref_slice %arg4[%add3A_184, %dma_start3A_187] : memref<32768x1024xf32, #tpu.memory_space<hbm>> -> memref<8x1024xf32, #tpu.memory_space<hbm>>
    tpu.enqueue_dma source(%arg6 : memref<8x1024xf32, #tpu.memory_space<vmem>>) target(%dma_start3A_188 : memref<8x1024xf32, #tpu.memory_space<hbm>>) target_semaphore(%arg22 : memref<!tpu.dma_semaphore, #tpu.memory_space<semaphore_mem>>)
    %add3A_189 = arith.constant 928 : i32
    %add3A_190 = arith.addi %mul3A_2, %add3A_189 : i32
    %dma_wait3A_191 = arith.constant 0 : i32
    %dma_wait3A_192 = tpu.memref_slice %arg4[%add3A_190, %dma_wait3A_191] : memref<32768x1024xf32, #tpu.memory_space<hbm>> -> memref<8x1024xf32, #tpu.memory_space<hbm>>
    %dma_wait3A_193 = arith.constant 0 : i32
    %dma_wait3A_194 = tpu.memref_slice %arg4[%add3A_190, %dma_wait3A_193] : memref<32768x1024xf32, #tpu.memory_space<hbm>> -> memref<8x1024xf32, #tpu.memory_space<hbm>>
    tpu.wait_dma2 semaphore(%arg26 : memref<!tpu.dma_semaphore, #tpu.memory_space<semaphore_mem>>) src(%arg10 : memref<8x1024xf32, #tpu.memory_space<vmem>>) dst(%dma_wait3A_194 : memref<8x1024xf32, #tpu.memory_space<hbm>>)
    %dma_start3A_195 = arith.constant 992 : i32
    %dma_start3A_196 = tpu.memref_slice %arg5[%dma_start3A_195] : memref<1024xi32, #tpu.memory_space<vmem>> -> memref<8xi32, #tpu.memory_space<vmem>>
    %dma_start3A_197 = arith.constant 0 : i32
    %dma_start3A_198 = arith.constant 0 : i32
    %dma_start3A_199 = tpu.memref_slice %arg2[%dma_start3A_197, %dma_start3A_198] : memref<8192x1024xf32, #tpu.memory_space<hbm>> -> memref<8192x1024xf32, #tpu.memory_space<hbm>>
    tpu.enqueue_indirect_dma source(%dma_start3A_199 : memref<8192x1024xf32, #tpu.memory_space<hbm>>) target(%arg10 : memref<8x1024xf32, #tpu.memory_space<vmem>>) offsets(%dma_start3A_196 : memref<8xi32, #tpu.memory_space<vmem>>) semaphore(%arg18 : memref<!tpu.dma_semaphore, #tpu.memory_space<semaphore_mem>>)
    %dma_wait3A_200 = arith.constant 968 : i32
    %dma_wait3A_201 = tpu.memref_slice %arg5[%dma_wait3A_200] : memref<1024xi32, #tpu.memory_space<vmem>> -> memref<8xi32, #tpu.memory_space<vmem>>
    %dma_wait3A_202 = arith.constant 0 : i32
    %dma_wait3A_203 = arith.constant 0 : i32
    %dma_wait3A_204 = tpu.memref_slice %arg2[%dma_wait3A_202, %dma_wait3A_203] : memref<8192x1024xf32, #tpu.memory_space<hbm>> -> memref<8192x1024xf32, #tpu.memory_space<hbm>>
    tpu.wait_indirect_dma semaphore(%arg15 : memref<!tpu.dma_semaphore, #tpu.memory_space<semaphore_mem>>) src(%dma_wait3A_204 : memref<8192x1024xf32, #tpu.memory_space<hbm>>) dst(%arg7 : memref<8x1024xf32, #tpu.memory_space<vmem>>)
    %add3A_205 = arith.constant 968 : i32
    %add3A_206 = arith.addi %mul3A_2, %add3A_205 : i32
    %dma_start3A_207 = arith.constant 0 : i32
    %dma_start3A_208 = tpu.memref_slice %arg4[%add3A_206, %dma_start3A_207] : memref<32768x1024xf32, #tpu.memory_space<hbm>> -> memref<8x1024xf32, #tpu.memory_space<hbm>>
    %dma_start3A_209 = arith.constant 0 : i32
    %dma_start3A_210 = tpu.memref_slice %arg4[%add3A_206, %dma_start3A_209] : memref<32768x1024xf32, #tpu.memory_space<hbm>> -> memref<8x1024xf32, #tpu.memory_space<hbm>>
    tpu.enqueue_dma source(%arg7 : memref<8x1024xf32, #tpu.memory_space<vmem>>) target(%dma_start3A_210 : memref<8x1024xf32, #tpu.memory_space<hbm>>) target_semaphore(%arg23 : memref<!tpu.dma_semaphore, #tpu.memory_space<semaphore_mem>>)
    %add3A_211 = arith.constant 936 : i32
    %add3A_212 = arith.addi %mul3A_2, %add3A_211 : i32
    %dma_wait3A_213 = arith.constant 0 : i32
    %dma_wait3A_214 = tpu.memref_slice %arg4[%add3A_212, %dma_wait3A_213] : memref<32768x1024xf32, #tpu.memory_space<hbm>> -> memref<8x1024xf32, #tpu.memory_space<hbm>>
    %dma_wait3A_215 = arith.constant 0 : i32
    %dma_wait3A_216 = tpu.memref_slice %arg4[%add3A_212, %dma_wait3A_215] : memref<32768x1024xf32, #tpu.memory_space<hbm>> -> memref<8x1024xf32, #tpu.memory_space<hbm>>
    tpu.wait_dma2 semaphore(%arg27 : memref<!tpu.dma_semaphore, #tpu.memory_space<semaphore_mem>>) src(%arg11 : memref<8x1024xf32, #tpu.memory_space<vmem>>) dst(%dma_wait3A_216 : memref<8x1024xf32, #tpu.memory_space<hbm>>)
    %dma_start3A_217 = arith.constant 1000 : i32
    %dma_start3A_218 = tpu.memref_slice %arg5[%dma_start3A_217] : memref<1024xi32, #tpu.memory_space<vmem>> -> memref<8xi32, #tpu.memory_space<vmem>>
    %dma_start3A_219 = arith.constant 0 : i32
    %dma_start3A_220 = arith.constant 0 : i32
    %dma_start3A_221 = tpu.memref_slice %arg2[%dma_start3A_219, %dma_start3A_220] : memref<8192x1024xf32, #tpu.memory_space<hbm>> -> memref<8192x1024xf32, #tpu.memory_space<hbm>>
    tpu.enqueue_indirect_dma source(%dma_start3A_221 : memref<8192x1024xf32, #tpu.memory_space<hbm>>) target(%arg11 : memref<8x1024xf32, #tpu.memory_space<vmem>>) offsets(%dma_start3A_218 : memref<8xi32, #tpu.memory_space<vmem>>) semaphore(%arg19 : memref<!tpu.dma_semaphore, #tpu.memory_space<semaphore_mem>>)
    %dma_wait3A_222 = arith.constant 976 : i32
    %dma_wait3A_223 = tpu.memref_slice %arg5[%dma_wait3A_222] : memref<1024xi32, #tpu.memory_space<vmem>> -> memref<8xi32, #tpu.memory_space<vmem>>
    %dma_wait3A_224 = arith.constant 0 : i32
    %dma_wait3A_225 = arith.constant 0 : i32
    %dma_wait3A_226 = tpu.memref_slice %arg2[%dma_wait3A_224, %dma_wait3A_225] : memref<8192x1024xf32, #tpu.memory_space<hbm>> -> memref<8192x1024xf32, #tpu.memory_space<hbm>>
    tpu.wait_indirect_dma semaphore(%arg16 : memref<!tpu.dma_semaphore, #tpu.memory_space<semaphore_mem>>) src(%dma_wait3A_226 : memref<8192x1024xf32, #tpu.memory_space<hbm>>) dst(%arg8 : memref<8x1024xf32, #tpu.memory_space<vmem>>)
    %add3A_227 = arith.constant 976 : i32
    %add3A_228 = arith.addi %mul3A_2, %add3A_227 : i32
    %dma_start3A_229 = arith.constant 0 : i32
    %dma_start3A_230 = tpu.memref_slice %arg4[%add3A_228, %dma_start3A_229] : memref<32768x1024xf32, #tpu.memory_space<hbm>> -> memref<8x1024xf32, #tpu.memory_space<hbm>>
    %dma_start3A_231 = arith.constant 0 : i32
    %dma_start3A_232 = tpu.memref_slice %arg4[%add3A_228, %dma_start3A_231] : memref<32768x1024xf32, #tpu.memory_space<hbm>> -> memref<8x1024xf32, #tpu.memory_space<hbm>>
    tpu.enqueue_dma source(%arg8 : memref<8x1024xf32, #tpu.memory_space<vmem>>) target(%dma_start3A_232 : memref<8x1024xf32, #tpu.memory_space<hbm>>) target_semaphore(%arg24 : memref<!tpu.dma_semaphore, #tpu.memory_space<semaphore_mem>>)
    %add3A_233 = arith.constant 944 : i32
    %add3A_234 = arith.addi %mul3A_2, %add3A_233 : i32
    %dma_wait3A_235 = arith.constant 0 : i32
    %dma_wait3A_236 = tpu.memref_slice %arg4[%add3A_234, %dma_wait3A_235] : memref<32768x1024xf32, #tpu.memory_space<hbm>> -> memref<8x1024xf32, #tpu.memory_space<hbm>>
    %dma_wait3A_237 = arith.constant 0 : i32
    %dma_wait3A_238 = tpu.memref_slice %arg4[%add3A_234, %dma_wait3A_237] : memref<32768x1024xf32, #tpu.memory_space<hbm>> -> memref<8x1024xf32, #tpu.memory_space<hbm>>
    tpu.wait_dma2 semaphore(%arg28 : memref<!tpu.dma_semaphore, #tpu.memory_space<semaphore_mem>>) src(%arg12 : memref<8x1024xf32, #tpu.memory_space<vmem>>) dst(%dma_wait3A_238 : memref<8x1024xf32, #tpu.memory_space<hbm>>)
    %dma_start3A_239 = arith.constant 1008 : i32
    %dma_start3A_240 = tpu.memref_slice %arg5[%dma_start3A_239] : memref<1024xi32, #tpu.memory_space<vmem>> -> memref<8xi32, #tpu.memory_space<vmem>>
    %dma_start3A_241 = arith.constant 0 : i32
    %dma_start3A_242 = arith.constant 0 : i32
    %dma_start3A_243 = tpu.memref_slice %arg2[%dma_start3A_241, %dma_start3A_242] : memref<8192x1024xf32, #tpu.memory_space<hbm>> -> memref<8192x1024xf32, #tpu.memory_space<hbm>>
    tpu.enqueue_indirect_dma source(%dma_start3A_243 : memref<8192x1024xf32, #tpu.memory_space<hbm>>) target(%arg12 : memref<8x1024xf32, #tpu.memory_space<vmem>>) offsets(%dma_start3A_240 : memref<8xi32, #tpu.memory_space<vmem>>) semaphore(%arg20 : memref<!tpu.dma_semaphore, #tpu.memory_space<semaphore_mem>>)
    %dma_wait3A_244 = arith.constant 984 : i32
    %dma_wait3A_245 = tpu.memref_slice %arg5[%dma_wait3A_244] : memref<1024xi32, #tpu.memory_space<vmem>> -> memref<8xi32, #tpu.memory_space<vmem>>
    %dma_wait3A_246 = arith.constant 0 : i32
    %dma_wait3A_247 = arith.constant 0 : i32
    %dma_wait3A_248 = tpu.memref_slice %arg2[%dma_wait3A_246, %dma_wait3A_247] : memref<8192x1024xf32, #tpu.memory_space<hbm>> -> memref<8192x1024xf32, #tpu.memory_space<hbm>>
    tpu.wait_indirect_dma semaphore(%arg17 : memref<!tpu.dma_semaphore, #tpu.memory_space<semaphore_mem>>) src(%dma_wait3A_248 : memref<8192x1024xf32, #tpu.memory_space<hbm>>) dst(%arg9 : memref<8x1024xf32, #tpu.memory_space<vmem>>)
    %add3A_249 = arith.constant 984 : i32
    %add3A_250 = arith.addi %mul3A_2, %add3A_249 : i32
    %dma_start3A_251 = arith.constant 0 : i32
    %dma_start3A_252 = tpu.memref_slice %arg4[%add3A_250, %dma_start3A_251] : memref<32768x1024xf32, #tpu.memory_space<hbm>> -> memref<8x1024xf32, #tpu.memory_space<hbm>>
    %dma_start3A_253 = arith.constant 0 : i32
    %dma_start3A_254 = tpu.memref_slice %arg4[%add3A_250, %dma_start3A_253] : memref<32768x1024xf32, #tpu.memory_space<hbm>> -> memref<8x1024xf32, #tpu.memory_space<hbm>>
    tpu.enqueue_dma source(%arg9 : memref<8x1024xf32, #tpu.memory_space<vmem>>) target(%dma_start3A_254 : memref<8x1024xf32, #tpu.memory_space<hbm>>) target_semaphore(%arg25 : memref<!tpu.dma_semaphore, #tpu.memory_space<semaphore_mem>>)
    %add3A_255 = arith.constant 952 : i32
    %add3A_256 = arith.addi %mul3A_2, %add3A_255 : i32
    %dma_wait3A_257 = arith.constant 0 : i32
    %dma_wait3A_258 = tpu.memref_slice %arg4[%add3A_256, %dma_wait3A_257] : memref<32768x1024xf32, #tpu.memory_space<hbm>> -> memref<8x1024xf32, #tpu.memory_space<hbm>>
    %dma_wait3A_259 = arith.constant 0 : i32
    %dma_wait3A_260 = tpu.memref_slice %arg4[%add3A_256, %dma_wait3A_259] : memref<32768x1024xf32, #tpu.memory_space<hbm>> -> memref<8x1024xf32, #tpu.memory_space<hbm>>
    tpu.wait_dma2 semaphore(%arg29 : memref<!tpu.dma_semaphore, #tpu.memory_space<semaphore_mem>>) src(%arg13 : memref<8x1024xf32, #tpu.memory_space<vmem>>) dst(%dma_wait3A_260 : memref<8x1024xf32, #tpu.memory_space<hbm>>)
    %dma_start3A_261 = arith.constant 1016 : i32
    %dma_start3A_262 = tpu.memref_slice %arg5[%dma_start3A_261] : memref<1024xi32, #tpu.memory_space<vmem>> -> memref<8xi32, #tpu.memory_space<vmem>>
    %dma_start3A_263 = arith.constant 0 : i32
    %dma_start3A_264 = arith.constant 0 : i32
    %dma_start3A_265 = tpu.memref_slice %arg2[%dma_start3A_263, %dma_start3A_264] : memref<8192x1024xf32, #tpu.memory_space<hbm>> -> memref<8192x1024xf32, #tpu.memory_space<hbm>>
    tpu.enqueue_indirect_dma source(%dma_start3A_265 : memref<8192x1024xf32, #tpu.memory_space<hbm>>) target(%arg13 : memref<8x1024xf32, #tpu.memory_space<vmem>>) offsets(%dma_start3A_262 : memref<8xi32, #tpu.memory_space<vmem>>) semaphore(%arg21 : memref<!tpu.dma_semaphore, #tpu.memory_space<semaphore_mem>>)
    %dma_wait3A_266 = arith.constant 992 : i32
    %dma_wait3A_267 = tpu.memref_slice %arg5[%dma_wait3A_266] : memref<1024xi32, #tpu.memory_space<vmem>> -> memref<8xi32, #tpu.memory_space<vmem>>
    %dma_wait3A_268 = arith.constant 0 : i32
    %dma_wait3A_269 = arith.constant 0 : i32
    %dma_wait3A_270 = tpu.memref_slice %arg2[%dma_wait3A_268, %dma_wait3A_269] : memref<8192x1024xf32, #tpu.memory_space<hbm>> -> memref<8192x1024xf32, #tpu.memory_space<hbm>>
    tpu.wait_indirect_dma semaphore(%arg18 : memref<!tpu.dma_semaphore, #tpu.memory_space<semaphore_mem>>) src(%dma_wait3A_270 : memref<8192x1024xf32, #tpu.memory_space<hbm>>) dst(%arg10 : memref<8x1024xf32, #tpu.memory_space<vmem>>)
    %add3A_271 = arith.constant 992 : i32
    %add3A_272 = arith.addi %mul3A_2, %add3A_271 : i32
    %dma_start3A_273 = arith.constant 0 : i32
    %dma_start3A_274 = tpu.memref_slice %arg4[%add3A_272, %dma_start3A_273] : memref<32768x1024xf32, #tpu.memory_space<hbm>> -> memref<8x1024xf32, #tpu.memory_space<hbm>>
    %dma_start3A_275 = arith.constant 0 : i32
    %dma_start3A_276 = tpu.memref_slice %arg4[%add3A_272, %dma_start3A_275] : memref<32768x1024xf32, #tpu.memory_space<hbm>> -> memref<8x1024xf32, #tpu.memory_space<hbm>>
    tpu.enqueue_dma source(%arg10 : memref<8x1024xf32, #tpu.memory_space<vmem>>) target(%dma_start3A_276 : memref<8x1024xf32, #tpu.memory_space<hbm>>) target_semaphore(%arg26 : memref<!tpu.dma_semaphore, #tpu.memory_space<semaphore_mem>>)
    %add3A_277 = arith.constant 960 : i32
    %add3A_278 = arith.addi %mul3A_2, %add3A_277 : i32
    %dma_wait3A_279 = arith.constant 0 : i32
    %dma_wait3A_280 = tpu.memref_slice %arg4[%add3A_278, %dma_wait3A_279] : memref<32768x1024xf32, #tpu.memory_space<hbm>> -> memref<8x1024xf32, #tpu.memory_space<hbm>>
    %dma_wait3A_281 = arith.constant 0 : i32
    %dma_wait3A_282 = tpu.memref_slice %arg4[%add3A_278, %dma_wait3A_281] : memref<32768x1024xf32, #tpu.memory_space<hbm>> -> memref<8x1024xf32, #tpu.memory_space<hbm>>
    tpu.wait_dma2 semaphore(%arg22 : memref<!tpu.dma_semaphore, #tpu.memory_space<semaphore_mem>>) src(%arg6 : memref<8x1024xf32, #tpu.memory_space<vmem>>) dst(%dma_wait3A_282 : memref<8x1024xf32, #tpu.memory_space<hbm>>)
    %dma_wait3A_283 = arith.constant 1000 : i32
    %dma_wait3A_284 = tpu.memref_slice %arg5[%dma_wait3A_283] : memref<1024xi32, #tpu.memory_space<vmem>> -> memref<8xi32, #tpu.memory_space<vmem>>
    %dma_wait3A_285 = arith.constant 0 : i32
    %dma_wait3A_286 = arith.constant 0 : i32
    %dma_wait3A_287 = tpu.memref_slice %arg2[%dma_wait3A_285, %dma_wait3A_286] : memref<8192x1024xf32, #tpu.memory_space<hbm>> -> memref<8192x1024xf32, #tpu.memory_space<hbm>>
    tpu.wait_indirect_dma semaphore(%arg19 : memref<!tpu.dma_semaphore, #tpu.memory_space<semaphore_mem>>) src(%dma_wait3A_287 : memref<8192x1024xf32, #tpu.memory_space<hbm>>) dst(%arg11 : memref<8x1024xf32, #tpu.memory_space<vmem>>)
    %add3A_288 = arith.constant 1000 : i32
    %add3A_289 = arith.addi %mul3A_2, %add3A_288 : i32
    %dma_start3A_290 = arith.constant 0 : i32
    %dma_start3A_291 = tpu.memref_slice %arg4[%add3A_289, %dma_start3A_290] : memref<32768x1024xf32, #tpu.memory_space<hbm>> -> memref<8x1024xf32, #tpu.memory_space<hbm>>
    %dma_start3A_292 = arith.constant 0 : i32
    %dma_start3A_293 = tpu.memref_slice %arg4[%add3A_289, %dma_start3A_292] : memref<32768x1024xf32, #tpu.memory_space<hbm>> -> memref<8x1024xf32, #tpu.memory_space<hbm>>
    tpu.enqueue_dma source(%arg11 : memref<8x1024xf32, #tpu.memory_space<vmem>>) target(%dma_start3A_293 : memref<8x1024xf32, #tpu.memory_space<hbm>>) target_semaphore(%arg27 : memref<!tpu.dma_semaphore, #tpu.memory_space<semaphore_mem>>)
    %add3A_294 = arith.constant 968 : i32
    %add3A_295 = arith.addi %mul3A_2, %add3A_294 : i32
    %dma_wait3A_296 = arith.constant 0 : i32
    %dma_wait3A_297 = tpu.memref_slice %arg4[%add3A_295, %dma_wait3A_296] : memref<32768x1024xf32, #tpu.memory_space<hbm>> -> memref<8x1024xf32, #tpu.memory_space<hbm>>
    %dma_wait3A_298 = arith.constant 0 : i32
    %dma_wait3A_299 = tpu.memref_slice %arg4[%add3A_295, %dma_wait3A_298] : memref<32768x1024xf32, #tpu.memory_space<hbm>> -> memref<8x1024xf32, #tpu.memory_space<hbm>>
    tpu.wait_dma2 semaphore(%arg23 : memref<!tpu.dma_semaphore, #tpu.memory_space<semaphore_mem>>) src(%arg7 : memref<8x1024xf32, #tpu.memory_space<vmem>>) dst(%dma_wait3A_299 : memref<8x1024xf32, #tpu.memory_space<hbm>>)
    %dma_wait3A_300 = arith.constant 1008 : i32
    %dma_wait3A_301 = tpu.memref_slice %arg5[%dma_wait3A_300] : memref<1024xi32, #tpu.memory_space<vmem>> -> memref<8xi32, #tpu.memory_space<vmem>>
    %dma_wait3A_302 = arith.constant 0 : i32
    %dma_wait3A_303 = arith.constant 0 : i32
    %dma_wait3A_304 = tpu.memref_slice %arg2[%dma_wait3A_302, %dma_wait3A_303] : memref<8192x1024xf32, #tpu.memory_space<hbm>> -> memref<8192x1024xf32, #tpu.memory_space<hbm>>
    tpu.wait_indirect_dma semaphore(%arg20 : memref<!tpu.dma_semaphore, #tpu.memory_space<semaphore_mem>>) src(%dma_wait3A_304 : memref<8192x1024xf32, #tpu.memory_space<hbm>>) dst(%arg12 : memref<8x1024xf32, #tpu.memory_space<vmem>>)
    %add3A_305 = arith.constant 1008 : i32
    %add3A_306 = arith.addi %mul3A_2, %add3A_305 : i32
    %dma_start3A_307 = arith.constant 0 : i32
    %dma_start3A_308 = tpu.memref_slice %arg4[%add3A_306, %dma_start3A_307] : memref<32768x1024xf32, #tpu.memory_space<hbm>> -> memref<8x1024xf32, #tpu.memory_space<hbm>>
    %dma_start3A_309 = arith.constant 0 : i32
    %dma_start3A_310 = tpu.memref_slice %arg4[%add3A_306, %dma_start3A_309] : memref<32768x1024xf32, #tpu.memory_space<hbm>> -> memref<8x1024xf32, #tpu.memory_space<hbm>>
    tpu.enqueue_dma source(%arg12 : memref<8x1024xf32, #tpu.memory_space<vmem>>) target(%dma_start3A_310 : memref<8x1024xf32, #tpu.memory_space<hbm>>) target_semaphore(%arg28 : memref<!tpu.dma_semaphore, #tpu.memory_space<semaphore_mem>>)
    %add3A_311 = arith.constant 976 : i32
    %add3A_312 = arith.addi %mul3A_2, %add3A_311 : i32
    %dma_wait3A_313 = arith.constant 0 : i32
    %dma_wait3A_314 = tpu.memref_slice %arg4[%add3A_312, %dma_wait3A_313] : memref<32768x1024xf32, #tpu.memory_space<hbm>> -> memref<8x1024xf32, #tpu.memory_space<hbm>>
    %dma_wait3A_315 = arith.constant 0 : i32
    %dma_wait3A_316 = tpu.memref_slice %arg4[%add3A_312, %dma_wait3A_315] : memref<32768x1024xf32, #tpu.memory_space<hbm>> -> memref<8x1024xf32, #tpu.memory_space<hbm>>
    tpu.wait_dma2 semaphore(%arg24 : memref<!tpu.dma_semaphore, #tpu.memory_space<semaphore_mem>>) src(%arg8 : memref<8x1024xf32, #tpu.memory_space<vmem>>) dst(%dma_wait3A_316 : memref<8x1024xf32, #tpu.memory_space<hbm>>)
    %dma_wait3A_317 = arith.constant 1016 : i32
    %dma_wait3A_318 = tpu.memref_slice %arg5[%dma_wait3A_317] : memref<1024xi32, #tpu.memory_space<vmem>> -> memref<8xi32, #tpu.memory_space<vmem>>
    %dma_wait3A_319 = arith.constant 0 : i32
    %dma_wait3A_320 = arith.constant 0 : i32
    %dma_wait3A_321 = tpu.memref_slice %arg2[%dma_wait3A_319, %dma_wait3A_320] : memref<8192x1024xf32, #tpu.memory_space<hbm>> -> memref<8192x1024xf32, #tpu.memory_space<hbm>>
    tpu.wait_indirect_dma semaphore(%arg21 : memref<!tpu.dma_semaphore, #tpu.memory_space<semaphore_mem>>) src(%dma_wait3A_321 : memref<8192x1024xf32, #tpu.memory_space<hbm>>) dst(%arg13 : memref<8x1024xf32, #tpu.memory_space<vmem>>)
    %add3A_322 = arith.constant 1016 : i32
    %add3A_323 = arith.addi %mul3A_2, %add3A_322 : i32
    %dma_start3A_324 = arith.constant 0 : i32
    %dma_start3A_325 = tpu.memref_slice %arg4[%add3A_323, %dma_start3A_324] : memref<32768x1024xf32, #tpu.memory_space<hbm>> -> memref<8x1024xf32, #tpu.memory_space<hbm>>
    %dma_start3A_326 = arith.constant 0 : i32
    %dma_start3A_327 = tpu.memref_slice %arg4[%add3A_323, %dma_start3A_326] : memref<32768x1024xf32, #tpu.memory_space<hbm>> -> memref<8x1024xf32, #tpu.memory_space<hbm>>
    tpu.enqueue_dma source(%arg13 : memref<8x1024xf32, #tpu.memory_space<vmem>>) target(%dma_start3A_327 : memref<8x1024xf32, #tpu.memory_space<hbm>>) target_semaphore(%arg29 : memref<!tpu.dma_semaphore, #tpu.memory_space<semaphore_mem>>)
    %add3A_328 = arith.constant 984 : i32
    %add3A_329 = arith.addi %mul3A_2, %add3A_328 : i32
    %dma_wait3A_330 = arith.constant 0 : i32
    %dma_wait3A_331 = tpu.memref_slice %arg4[%add3A_329, %dma_wait3A_330] : memref<32768x1024xf32, #tpu.memory_space<hbm>> -> memref<8x1024xf32, #tpu.memory_space<hbm>>
    %dma_wait3A_332 = arith.constant 0 : i32
    %dma_wait3A_333 = tpu.memref_slice %arg4[%add3A_329, %dma_wait3A_332] : memref<32768x1024xf32, #tpu.memory_space<hbm>> -> memref<8x1024xf32, #tpu.memory_space<hbm>>
    tpu.wait_dma2 semaphore(%arg25 : memref<!tpu.dma_semaphore, #tpu.memory_space<semaphore_mem>>) src(%arg9 : memref<8x1024xf32, #tpu.memory_space<vmem>>) dst(%dma_wait3A_333 : memref<8x1024xf32, #tpu.memory_space<hbm>>)
    %add3A_334 = arith.constant 992 : i32
    %add3A_335 = arith.addi %mul3A_2, %add3A_334 : i32
    %dma_wait3A_336 = arith.constant 0 : i32
    %dma_wait3A_337 = tpu.memref_slice %arg4[%add3A_335, %dma_wait3A_336] : memref<32768x1024xf32, #tpu.memory_space<hbm>> -> memref<8x1024xf32, #tpu.memory_space<hbm>>
    %dma_wait3A_338 = arith.constant 0 : i32
    %dma_wait3A_339 = tpu.memref_slice %arg4[%add3A_335, %dma_wait3A_338] : memref<32768x1024xf32, #tpu.memory_space<hbm>> -> memref<8x1024xf32, #tpu.memory_space<hbm>>
    tpu.wait_dma2 semaphore(%arg26 : memref<!tpu.dma_semaphore, #tpu.memory_space<semaphore_mem>>) src(%arg10 : memref<8x1024xf32, #tpu.memory_space<vmem>>) dst(%dma_wait3A_339 : memref<8x1024xf32, #tpu.memory_space<hbm>>)
    %add3A_340 = arith.constant 1000 : i32
    %add3A_341 = arith.addi %mul3A_2, %add3A_340 : i32
    %dma_wait3A_342 = arith.constant 0 : i32
    %dma_wait3A_343 = tpu.memref_slice %arg4[%add3A_341, %dma_wait3A_342] : memref<32768x1024xf32, #tpu.memory_space<hbm>> -> memref<8x1024xf32, #tpu.memory_space<hbm>>
    %dma_wait3A_344 = arith.constant 0 : i32
    %dma_wait3A_345 = tpu.memref_slice %arg4[%add3A_341, %dma_wait3A_344] : memref<32768x1024xf32, #tpu.memory_space<hbm>> -> memref<8x1024xf32, #tpu.memory_space<hbm>>
    tpu.wait_dma2 semaphore(%arg27 : memref<!tpu.dma_semaphore, #tpu.memory_space<semaphore_mem>>) src(%arg11 : memref<8x1024xf32, #tpu.memory_space<vmem>>) dst(%dma_wait3A_345 : memref<8x1024xf32, #tpu.memory_space<hbm>>)
    %add3A_346 = arith.constant 1008 : i32
    %add3A_347 = arith.addi %mul3A_2, %add3A_346 : i32
    %dma_wait3A_348 = arith.constant 0 : i32
    %dma_wait3A_349 = tpu.memref_slice %arg4[%add3A_347, %dma_wait3A_348] : memref<32768x1024xf32, #tpu.memory_space<hbm>> -> memref<8x1024xf32, #tpu.memory_space<hbm>>
    %dma_wait3A_350 = arith.constant 0 : i32
    %dma_wait3A_351 = tpu.memref_slice %arg4[%add3A_347, %dma_wait3A_350] : memref<32768x1024xf32, #tpu.memory_space<hbm>> -> memref<8x1024xf32, #tpu.memory_space<hbm>>
    tpu.wait_dma2 semaphore(%arg28 : memref<!tpu.dma_semaphore, #tpu.memory_space<semaphore_mem>>) src(%arg12 : memref<8x1024xf32, #tpu.memory_space<vmem>>) dst(%dma_wait3A_351 : memref<8x1024xf32, #tpu.memory_space<hbm>>)
    %add3A_352 = arith.constant 1016 : i32
    %add3A_353 = arith.addi %mul3A_2, %add3A_352 : i32
    %dma_wait3A_354 = arith.constant 0 : i32
    %dma_wait3A_355 = tpu.memref_slice %arg4[%add3A_353, %dma_wait3A_354] : memref<32768x1024xf32, #tpu.memory_space<hbm>> -> memref<8x1024xf32, #tpu.memory_space<hbm>>
    %dma_wait3A_356 = arith.constant 0 : i32
    %dma_wait3A_357 = tpu.memref_slice %arg4[%add3A_353, %dma_wait3A_356] : memref<32768x1024xf32, #tpu.memory_space<hbm>> -> memref<8x1024xf32, #tpu.memory_space<hbm>>
    tpu.wait_dma2 semaphore(%arg29 : memref<!tpu.dma_semaphore, #tpu.memory_space<semaphore_mem>>) src(%arg13 : memref<8x1024xf32, #tpu.memory_space<vmem>>) dst(%dma_wait3A_357 : memref<8x1024xf32, #tpu.memory_space<hbm>>)
    return
  }
}

</mosaic_0001>

<sc_bundles>
// kernel: kernel.3.cloned.1.call-start
scs
__scs_entry_jumppad:
0x0: {  	(pc) =	sbr.rel $0x88, $3  }
0x1: {  	(tag) =	ssettag $0x0;
	lr =	simm.s32 $0x1  }
0x2: {  	[smem:$0x3F9F] =	sst lr;
	_ =	strace $0xD0000000  }
0x3: {  	_ = 	snop  }
0x4: {  	_ = 	snop  }
0x5: {  	_ = 	snop  }
0x6: {  	_ = 	snop  }
0x7: {  	_ = 	snop  }
__scs_overlays_trampoline_lowered:
0x8: {  	[smem:$0x3FAE] =	sst s0  }
0x9: {  	[smem:$0x3FAF] =	sst s1  }
0xa: {  	[smem:$0x3FB0] =	sst s2  }
0xb: {  	[smem:$0x3FB1] =	sst s3  }
0xc: {  	[smem:$0x3FB2] =	sst s4  }
0xd: {  	[smem:$0x3FB3] =	sst s5  }
0xe: {  	[smem:$0x3FB4] =	sst s6  }
0xf: {  	[smem:$0x3FB5] =	sst s7  }
0x10: {  	[smem:$0x3FB6] =	sst s8  }
0x11: {  	[smem:$0x3FB7] =	sst s9;
	s0 =	simm.s32 @!p0 $0x0  }
0x12: {  	s1 =	sld [smem:$0x3F9D];
	s0 =	simm.s32 @p0 $0x1  }
0x13: {  	[smem:$0x3FB8] =	sst s0;
	s0 =	simm.s32 @!p1 $0x0  }
0x14: {  	s2 =	sld [smem:$0x3F9C];
	s0 =	simm.s32 @p1 $0x1  }
0x15: {  	[smem:$0x3FB9] =	sst s0;
	s0 =	simm.s32 @!p2 $0x0  }
0x16: {  	s3 =	sld [smem:$0x3FDB];
	s0 =	simm.s32 @p2 $0x1  }
0x17: {  	s4 =	simm.s32 $0x1BF5;
	[smem:$0x3FBB] =	sst s0  }
0x18: {  	s0 =	sld [smem:$0x3F9E];
	_ =	swait.ge [sflag:s4], $0x0  }
0x19: {  	s7 =	sld [smem:$0x3F9F]  }
0x1a: {  	s8 =	sadd.s32 $0xFFFFE003, lr  }
0x1b: {  	s9 =	sadd.s32 $0xFFFFFEF7, lr;
	s5 =	simm.s32 $0xFFFFFFFF;
	p2 =	slt.u32 s8, $0xFFFFF086  }
0x1c: {  	p1 =	slt.u32 s9, $0xF7A;
	s5 =	simm.s32 @!p2 $0x0  }
0x1d: {  	s5 =	simm.s32 @p1 $0x1;
	p0 =	seq.s32 s7, s2  }
0x1e: {  	s7 =	smul.u32 @!p0 $0xF7A, s2;
	p2 =	seq.s32 @!p0 s5, $0x0  }
0x1f: {  	s9 =	smul.u32 $0xF7A, s1;
	s8 =	simm.s32 @!p0 $0x1BF5;
	p2 =	por !p2, p0  }
0x20: {  	[sflag:s8] =	ssyncset.s32 @!p0 $0xFFFFF086;
	s6 =	sadd.s32 @!p0 s3, s7;
	s7 =	simm.s32 @!p0 $0x108  }
0x21: {  	s3 =	sadd.s32 s3, s9;
	s6 =	sadd.s32 @!p0 $0x88, s6;
	s7 =	simm.s32 @p2 $0x1082  }
0x22: {  	[simem:s7], [sflag:s8] =	dma.local @!p0 [hbm:s6], $0xF7A  }
0x23: {  	s9 =	sor.u32 $0xD0000000, s2;
	s6 =	simm.s32 $0x108;
	_ =	swait.ge @!p0 [sflag:s8], $0x0  }
0x24: {  	s3 =	sadd.s32 $0x88, s3;
	s6 =	simm.s32 @!p1 $0x1082;
	[sflag:s4] =	ssyncset.s32 $0xFFFFF086  }
0x25: {  	[simem:s6], [sflag:s4] =	dma.local [hbm:s3], $0xF7A  }
0x26: {  	[smem:$0x3F9F] =	sst s1;
	(tag) =	ssettag s2;
	_ =	strace s9  }
0x27: {  	s1 =	sld [smem:$0x3FAF]  }
0x28: {  	s2 =	sld [smem:$0x3FB0]  }
0x29: {  	s4 =	sld [smem:$0x3FB2]  }
0x2a: {  	p0 =	seq.s32 s5, $0x0;
	s5 =	sld [smem:$0x3FB3]  }
0x2b: {  	s6 =	sld [smem:$0x3FB4]  }
0x2c: {  	s7 =	sld [smem:$0x3FB5]  }
0x2d: {  	s3 =	simm.s32 $0x108;
	s8 =	sld [smem:$0x3FB6]  }
0x2e: {  	s3 =	simm.s32 @!p0 $0x1082;
	s9 =	sld [smem:$0x3FB7]  }
0x2f: {  	lr =	sadd.s32 s0, s3;
	s0 =	sld [smem:$0x3FAE]  }
0x30: {  	s3 =	sld [smem:$0x3FB1]  }
0x31: {  	[smem:$0x3FBA] =	sst s10  }
0x32: {  	s10 =	sld [smem:$0x3FB8];
	_ =	sdelay $0x3  }
0x33: {  	p0 =	seq.s32 s10, $0x1;
	s10 =	sld [smem:$0x3FBA];
	_ =	sdelay $0x3  }
0x34: {  	[smem:$0x3FBA] =	sst s10  }
0x35: {  	s10 =	sld [smem:$0x3FB9];
	_ =	sdelay $0x3  }
0x36: {  	p1 =	seq.s32 s10, $0x1;
	s10 =	sld [smem:$0x3FBA];
	_ =	sdelay $0x3  }
0x37: {  	[smem:$0x3FBA] =	sst s10  }
0x38: {  	s10 =	sld [smem:$0x3FBB]  }
0x39: {  	_ = 	snop;
	(pc) =	sbr.ind lr, $3  }
0x3a: {  	_ = 	snop  }
0x3b: {  	_ = 	snop  }
0x3c: {  	p2 =	seq.s32 s10, $0x1;
	s10 =	sld [smem:$0x3FBA]  }
0x3d: {  	_ =	shalt  }
0x3e: {  	_ =	shalt  }
0x3f: {  	_ =	shalt  }
0x40: {  	_ =	shalt  }
0x41: {  	_ =	shalt  }
0x42: {  	_ =	shalt  }
0x43: {  	_ =	shalt  }
0x44: {  	_ =	shalt  }
0x45: {  	_ =	shalt  }
0x46: {  	_ =	shalt  }
0x47: {  	_ =	shalt  }
0x48: {  	_ =	shalt  }
0x49: {  	_ =	shalt  }
0x4a: {  	_ =	shalt  }
0x4b: {  	_ =	shalt  }
0x4c: {  	_ =	shalt  }
0x4d: {  	_ =	shalt  }
0x4e: {  	_ =	shalt  }
0x4f: {  	_ =	shalt  }
0x50: {  	_ =	shalt  }
0x51: {  	_ =	shalt  }
0x52: {  	_ =	shalt  }
0x53: {  	_ =	shalt  }
0x54: {  	_ =	shalt  }
0x55: {  	_ =	shalt  }
0x56: {  	_ =	shalt  }
0x57: {  	_ =	shalt  }
0x58: {  	_ =	shalt  }
0x59: {  	_ =	shalt  }
0x5a: {  	_ =	shalt  }
0x5b: {  	_ =	shalt  }
0x5c: {  	_ =	shalt  }
0x5d: {  	_ =	shalt  }
0x5e: {  	_ =	shalt  }
0x5f: {  	_ =	shalt  }
0x60: {  	_ =	shalt  }
0x61: {  	_ =	shalt  }
0x62: {  	_ =	shalt  }
0x63: {  	_ =	shalt  }
0x64: {  	_ =	shalt  }
0x65: {  	_ =	shalt  }
0x66: {  	_ =	shalt  }
0x67: {  	_ =	shalt  }
0x68: {  	_ =	shalt  }
0x69: {  	_ =	shalt  }
0x6a: {  	_ =	shalt  }
0x6b: {  	_ =	shalt  }
0x6c: {  	_ =	shalt  }
0x6d: {  	_ =	shalt  }
0x6e: {  	_ =	shalt  }
0x6f: {  	_ =	shalt  }
0x70: {  	_ =	shalt  }
0x71: {  	_ =	shalt  }
0x72: {  	_ =	shalt  }
0x73: {  	_ =	shalt  }
0x74: {  	_ =	shalt  }
0x75: {  	_ =	shalt  }
0x76: {  	_ =	shalt  }
0x77: {  	_ =	shalt  }
0x78: {  	_ =	shalt  }
0x79: {  	_ =	shalt  }
0x7a: {  	_ =	shalt  }
0x7b: {  	_ =	shalt  }
0x7c: {  	_ =	shalt  }
0x7d: {  	_ =	shalt  }
0x7e: {  	_ =	shalt  }
0x7f: {  	_ =	shalt  }
0x80: {  	_ =	shalt  }
0x81: {  	_ =	shalt  }
0x82: {  	_ =	shalt  }
0x83: {  	_ =	shalt  }
0x84: {  	_ =	shalt  }
0x85: {  	_ =	shalt  }
0x86: {  	_ =	shalt  }
0x87: {  	_ =	shalt  }
.Lfunc_end0:
.L_simem_size_0:
called_computation_lowered:
.L_overlay_start_0:
0x88: {  	s2 =	sld [smem:$0x3FD9]  }
0x89: {  	s3 =	sld [smem:$0x3FFE];
	_ =	sdelay $0x1  }
0x8a: {  	s1 =	srdreg.scid  }
0x8b: {  	s0 =	sand.u32 $0x1, s1  }
0x8c: {  	s17 =	sshll.u32 s0, $0xA;
	s2 =	sadd.s32 s3, s2  }
0x8d: {  	s2 =	sadd.s32 s2, s17  }
0x8e: {  	[smem:$0x3FC6] =	sst s2  }
0x8f: {  	_ = 	snop  }
0x90: {  	s2 =	sld [smem:$0x3FC8]  }
0x91: {  	s18 =	sld [smem:$0x3FD0];
	(tm) =	ssettm $0x1  }
0x92: {  	s4 =	sld [smem:$0x3FFB];
	_ =	sdelay $0x3  }
0x93: {  	_ =	strace s4  }
0x94: {  	s4 =	sld [smem:$0x3FFC];
	_ =	sdelay $0x3  }
0x95: {  	_ =	strace s4  }
0x96: {  	s4 =	sld [smem:$0x3FFD];
	_ =	sdelay $0x3  }
0x97: {  	_ =	strace s4  }
0x98: {  	_ =	strace $0x8FFFFFFF  }
0x99: {  	s19 =	sld [smem:$0x3FDB];
	_ =	sdelay $0x1  }
0x9a: {  	s5 =	simm.s32 $_scs_section_size  }
0x9b: {  	s6 =	simm.s32 $_size__tile_overlayer_lowered;
	s7 =	simm.s32 $_tile_overlayer_lowered  }
0x9c: {  	s22 =	simm.s32 $0x1BFF;
	s21 =	sshll.u32 s7, $0x1;
	s4 =	sadd.s32 s5, s19  }
0x9d: {  	s8 =	simm.s32 $0x0;
	s20 =	sshll.u32 s6, $0x1;
	s6 =	sadd.s32 s21, s4  }
0x9e: {  	[timem:s8], [sflag:s22] =	dma.local [hbm:s6], s20  }
0x9f: {  	_ =	swait.ge [sflag:s22], s20  }
0xa0: {  	s5 =	ssub.s32 $0x0, s20;
	[sflag:s22] =	ssyncset.done $0x0  }
0xa1: {  	[sflag:s22] =	ssyncadd.s32 s5;
	_ =	sdelay $0x1  }
0xa2: {  	s23 =	simm.s32 $0x1B8B  }
0xa3: {  	_ =	swait.ge [sflag:s23], $0x1  }
0xa4: {  	[sflag:s23] =	ssyncset.done $0x0  }
0xa5: {  	s25 =	simm.s32 $0x1B8E;
	s24 =	sld [smem:$0x3FFE];
	[sflag:s23] =	ssyncadd.s32 $0xFFFFFFFF  }
0xa6: {  	s26 =	simm.s32 $execute0_lowered;
	[smem:$0x3FD2] =	sst s25  }
0xa7: {  	s6 =	sshll.u32 s26, $0x1;
	_ =	strace $0x80000046;
	[dreg:$0x1] =	wrdreg $0xFFFFFFFF  }
0xa8: {  	s28 =	simm.s32 $_size_execute0_lowered;
	s4 =	sadd.s32 s4, s6;
	[dreg:$0x0] =	wrdreg $0x0  }
0xa9: {  	s6 =	sshll.u32 s28, $0x1;
	[dreg:$0x2] =	wrdreg s4  }
0xaa: {  	[dreg:$0x3] =	wrdreg s6  }
0xab: {  	[dreg:$0x4] =	wrdreg $0xC0  }
0xac: {  	_ =	task [dreg:s8], $0x5FFFF  }
0xad: {  	[dreg:$0x1] =	wrdreg $0xFFFFFFFF  }
0xae: {  	[dreg:$0x0] =	wrdreg $0x60  }
0xaf: {  	[dreg:$0x2] =	wrdreg s2  }
0xb0: {  	[dreg:$0x3] =	wrdreg s24  }
0xb1: {  	[dreg:$0x4] =	wrdreg s18  }
0xb2: {  	[dreg:$0x5] =	wrdreg $0x9  }
0xb3: {  	_ =	task.clear_ibuf [dreg:s8], $0x6FFFF;
	_ =	strace $0x90000046  }
0xb4: {  	s29 =	simm.s32 $0x9;
	_ =	strace $0x80000048  }
0xb5: {  	_ =	swait.ge [sflag:s29], $0x1  }
0xb6: {  	[sflag:s29] =	ssyncadd.s32 $0xFFFFFFFF  }
0xb7: {  	_ =	strace $0x90000048  }
0xb8: {  	_ =	sfence  }
0xb9: {  	s30 =	sld [smem:$0x0];
	_ =	sdelay $0x2  }
0xba: {  	s31 =	sshll.u32 s1, $0xD;
	s1 =	sshrl.u32 s1, $0x2  }
0xbb: {  	s3 =	sand.u32 $0x4000, s31;
	s1 =	sadd.s32 s1, s30  }
0xbc: {  	s0 =	sor.u32 s3, s0;
	s1 =	sshll.u32 s1, $0x11  }
0xbd: {  	s0 =	sor.u32 s1, s0  }
0xbe: {  	s0 =	sadd.s32 $0x8F2B, s0  }
0xbf: {  	[sflag:s0] =	ssyncadd.remote.s32 $0x1  }
0xc0: {  	_ =	sfence.sel $0xFFFF  }
0xc1: {  	[dreg:$0x0] =	wrdreg $0xFFFFFFFF;
	(pc) =	sbr.abs _section_cstart, $3  }
0xc2: {  	[dreg:$0x1] =	wrdreg $0xFFFFFFFF  }
0xc3: {  	_ =	task.clear_ibuf [dreg:s8], $0x2FFFF;
	_ =	strace $0x9FFFFFFF  }
0xc4: {  	(tm) =	ssettm $0x7FFFFFFF  }
0xc5: {  	_ =	shalt  }
tec
execute0_lowered:
.L_overlay_start_1:
0x0: {  	(tag) =	ssettag $0x1  }
0x1: {  	s1 =	rddreg [dreg:$0x0]  }
0x2: {  	s0 =	srdreg.scid;
	s2 =	rddreg [dreg:$0x1]  }
0x3: {  	s9 =	stileid.u32;
	s4 =	rddreg [dreg:$0x2];
	s0 =	sand.u32 $0x1, s0  }
0x4: {  	s3 =	simm.s32 $0x0;
	s5 =	sshll.u32 s9, $0xB;
	s6 =	sshll.u32 s0, $0xA  }
0x5: {  	[smem:$0x7FF] =	sst s3;
	s7 =	ssub.s32 $0x2, s0;
	s5 =	sor.u32 s6, s5  }
0x6: {  	_ =	strace $0x80000047;
	s10 =	sshrl.u32 s7, $0x1;
	s11 =	sshll.u32 s5, $0x7  }
0x7: {  	s6 =	sshrl.u32 s5, $0x3;
	s7 =	ssub.s32 s7, s10;
	s10 =	sadd.s32 s4, s11  }
0x8: {  	s2 =	sadd.s32 s6, s2;
	s31 =	smax.u32 s7, $0x1;
	[dreg:$0x6] =	wrdreg s10  }
0x9: {  	s2 =	sadd.s32 $0x400, s2;
	[dreg:$0x16] =	wrdreg s31  }
0xa: {  	s12 =	sadd.s32 $0x800, s10;
	[dreg:$0x5] =	wrdreg s2  }
0xb: {  	s13 =	sadd.s32 $0xC00, s10;
	[dreg:$0x8] =	wrdreg s12  }
0xc: {  	s14 =	sadd.s32 $0x1000, s10;
	[dreg:$0x9] =	wrdreg s13  }
0xd: {  	s30 =	simm.s32 $0x3C00;
	s15 =	sadd.s32 $0x1400, s10;
	[dreg:$0xa] =	wrdreg s14  }
0xe: {  	s28 =	simm.s32 $0xE;
	s16 =	sadd.s32 $0x1800, s10;
	[dreg:$0xb] =	wrdreg s15  }
0xf: {  	s29 =	simm.s32 $0xF;
	s17 =	sadd.s32 $0x1C00, s10;
	[dreg:$0xc] =	wrdreg s16  }
0x10: {  	s8 =	sadd.s32 $0x300, s1;
	s18 =	sadd.s32 $0x1E000, s10;
	[dreg:$0xd] =	wrdreg s17  }
0x11: {  	s24 =	sshll.u32 s9, $0x12;
	s19 =	sadd.s32 $0x1E400, s10;
	[dreg:$0xe] =	wrdreg s18  }
0x12: {  	s9 =	simm.s32 $0xC00;
	s20 =	sadd.s32 $0x1E800, s10;
	[dreg:$0xf] =	wrdreg s19  }
0x13: {  	s0 =	sshll.u32 s0, $0x11;
	s21 =	sadd.s32 $0x1EC00, s10;
	[dreg:$0x10] =	wrdreg s20  }
0x14: {  	s5 =	sadd.s32 $0x100, s1;
	s22 =	sadd.s32 $0x1F000, s10;
	[dreg:$0x11] =	wrdreg s21  }
0x15: {  	s6 =	sadd.s32 $0x200, s1;
	s23 =	sadd.s32 $0x1F400, s10;
	[dreg:$0x12] =	wrdreg s22  }
0x16: {  	s7 =	simm.s32 $0x2C00;
	s25 =	sadd.s32 $0x1F800, s10;
	[dreg:$0x13] =	wrdreg s23  }
0x17: {  	s26 =	sadd.s32 $0x1FC00, s10;
	s2 =	sadd.s32 $0x400, s10;
	[dreg:$0x14] =	wrdreg s25  }
0x18: {  	[dreg:$0x15] =	wrdreg s26;
	s13 =	simm.s32 $0x1400;
	s17 =	simm.s32 $0x1C00  }
0x19: {  	s26 =	simm.s32 $0x3400;
	s12 =	simm.s32 $0x3;
	s14 =	simm.s32 $0x4  }
0x1a: {  	s15 =	simm.s32 $0x5;
	s16 =	simm.s32 $0x9;
	s18 =	simm.s32 $0x6  }
0x1b: {  	s19 =	simm.s32 $0xA;
	s20 =	simm.s32 $0x7;
	s22 =	simm.s32 $0xB  }
0x1c: {  	v0 =	vlaneseq.u32;
	s23 =	simm.s32 $0x8;
	[dreg:$0x7] =	wrdreg s2;
	s2 =	sadd.s32 s24, s4  }
0x1d: {  	v1 =	vshrl.u32 v0, $0x3;
	s25 =	simm.s32 $0xD;
	s24 =	simm.s32 $0xC;
	s0 =	sadd.s32 s0, s2  }
0x1e: {  	vm0 =	vmmov $0xffff;
	v0 =	vand.u32 $0x7, v0;
	v1 =	vmul.u32 $0x8, v1;
	s4 =	simm.s32 $0x0;
	s2 =	simm.s32 $0x10;
	[dreg:$0x4] =	wrdreg s0  }
.LBB2_1:
0x1f: {  	[dreg:$0x17] =	wrdreg s4  }
0x20: {  	s0 =	rddreg [dreg:$0x5];
	s10 =	simm.s32 $0x11  }
0x21: {  	[tilespmem:s3], [sflag:$0x11] =	stream.linear.gather [hbm4b:s0+s3], $0x400, $0x38;
	[tilespmem:$0x10400] =	vst v63  }
0x22: {  	_ =	swait.ge [sflag:s10], $0x400  }
0x23: {  	[sflag:s10] =	ssyncset.done $0x0  }
0x24: {  	[sflag:s10] =	ssyncadd.s32 $0xFFFFFC00  }
0x25: {  	v2 =	vld.msk [tilespmem:$0x0], $0xff;
	_ =	sdelay $0x4  }
0x26: {  	v3 =	vshll.u32 v2, $0x3  }
0x27: {  	v2 =	vand.u32 $0x7, v2;
	v3 =	vand.u32 $0xFFFFFFC0, v3  }
0x28: {  	v2 =	vor.u32 v2, v3  }
0x29: {  	v2 =	vperm.xlane v2, v0;
	_ =	sdelay $0x1  }
0x2a: {  	v2 =	vadd.s32 v1, v2;
	_ =	sdelay $0x3  }
0x2b: {  	s11 =	simm.s32 $0x400  }
0x2c: {  	[tilespmem:s11], [sflag:$0x1] =	stream.indirect_vreg.gather [hbm4b:s1+s3], $0x80, v2, vm0, $0xb8;
	[tilespmem:$0x10400] =	vst v63  }
0x2d: {  	_ = 	snop  }
0x2e: {  	[tilespmem:s9], [sflag:$0x1] =	stream.indirect_vreg.gather [hbm4b:s5+s3], $0x80, v2, vm0, $0xb8;
	[tilespmem:$0x10400] =	vst v63  }
0x2f: {  	_ = 	snop  }
0x30: {  	[tilespmem:s13], [sflag:$0x1] =	stream.indirect_vreg.gather [hbm4b:s6+s3], $0x80, v2, vm0, $0xb8;
	[tilespmem:$0x10400] =	vst v63  }
0x31: {  	_ = 	snop  }
0x32: {  	[tilespmem:s17], [sflag:$0x1] =	stream.indirect_vreg.gather [hbm4b:s8+s3], $0x80, v2, vm0, $0xb8;
	[tilespmem:$0x10400] =	vst v63  }
0x33: {  	v2 =	vld.msk [tilespmem:$0x8], $0xff;
	_ =	sdelay $0x4  }
0x34: {  	v3 =	vshll.u32 v2, $0x3  }
0x35: {  	v2 =	vand.u32 $0x7, v2;
	v3 =	vand.u32 $0xFFFFFFC0, v3  }
0x36: {  	v2 =	vor.u32 v2, v3  }
0x37: {  	v2 =	vperm.xlane v2, v0;
	_ =	sdelay $0x1  }
0x38: {  	v2 =	vadd.s32 v1, v2;
	_ =	sdelay $0x3  }
0x39: {  	s21 =	simm.s32 $0x2400  }
0x3a: {  	[tilespmem:s21], [sflag:$0x2] =	stream.indirect_vreg.gather [hbm4b:s1+s3], $0x80, v2, vm0, $0xb8;
	[tilespmem:$0x10400] =	vst v63  }
0x3b: {  	_ = 	snop  }
0x3c: {  	[tilespmem:s7], [sflag:$0x2] =	stream.indirect_vreg.gather [hbm4b:s5+s3], $0x80, v2, vm0, $0xb8;
	[tilespmem:$0x10400] =	vst v63  }
0x3d: {  	_ = 	snop  }
0x3e: {  	[tilespmem:s26], [sflag:$0x2] =	stream.indirect_vreg.gather [hbm4b:s6+s3], $0x80, v2, vm0, $0xb8;
	[tilespmem:$0x10400] =	vst v63  }
0x3f: {  	_ = 	snop  }
0x40: {  	[tilespmem:s30], [sflag:$0x2] =	stream.indirect_vreg.gather [hbm4b:s8+s3], $0x80, v2, vm0, $0xb8;
	[tilespmem:$0x10400] =	vst v63  }
0x41: {  	v2 =	vld.msk [tilespmem:$0x10], $0xff;
	_ =	sdelay $0x4  }
0x42: {  	v3 =	vshll.u32 v2, $0x3  }
0x43: {  	v2 =	vand.u32 $0x7, v2;
	v3 =	vand.u32 $0xFFFFFFC0, v3  }
0x44: {  	v2 =	vor.u32 v2, v3  }
0x45: {  	v2 =	vperm.xlane v2, v0;
	_ =	sdelay $0x1  }
0x46: {  	v2 =	vadd.s32 v1, v2;
	_ =	sdelay $0x3  }
0x47: {  	s31 =	simm.s32 $0x4400  }
0x48: {  	[tilespmem:s31], [sflag:$0x3] =	stream.indirect_vreg.gather [hbm4b:s1+s3], $0x80, v2, vm0, $0xb8;
	[tilespmem:$0x10400] =	vst v63  }
0x49: {  	s10 =	simm.s32 $0x4C00  }
0x4a: {  	[tilespmem:s10], [sflag:$0x3] =	stream.indirect_vreg.gather [hbm4b:s5+s3], $0x80, v2, vm0, $0xb8;
	[tilespmem:$0x10400] =	vst v63  }
0x4b: {  	s21 =	simm.s32 $0x5400  }
0x4c: {  	[tilespmem:s21], [sflag:$0x3] =	stream.indirect_vreg.gather [hbm4b:s6+s3], $0x80, v2, vm0, $0xb8;
	[tilespmem:$0x10400] =	vst v63  }
0x4d: {  	s31 =	simm.s32 $0x5C00  }
0x4e: {  	[tilespmem:s31], [sflag:$0x3] =	stream.indirect_vreg.gather [hbm4b:s8+s3], $0x80, v2, vm0, $0xb8;
	[tilespmem:$0x10400] =	vst v63  }
0x4f: {  	v2 =	vld.msk [tilespmem:$0x18], $0xff;
	_ =	sdelay $0x4  }
0x50: {  	v3 =	vshll.u32 v2, $0x3  }
0x51: {  	v2 =	vand.u32 $0x7, v2;
	v3 =	vand.u32 $0xFFFFFFC0, v3  }
0x52: {  	v2 =	vor.u32 v2, v3  }
0x53: {  	v2 =	vperm.xlane v2, v0;
	_ =	sdelay $0x1  }
0x54: {  	v2 =	vadd.s32 v1, v2;
	_ =	sdelay $0x3  }
0x55: {  	s10 =	simm.s32 $0x6400  }
0x56: {  	[tilespmem:s10], [sflag:$0x4] =	stream.indirect_vreg.gather [hbm4b:s1+s3], $0x80, v2, vm0, $0xb8;
	[tilespmem:$0x10400] =	vst v63  }
0x57: {  	s21 =	simm.s32 $0x6C00  }
0x58: {  	[tilespmem:s21], [sflag:$0x4] =	stream.indirect_vreg.gather [hbm4b:s5+s3], $0x80, v2, vm0, $0xb8;
	[tilespmem:$0x10400] =	vst v63  }
0x59: {  	s31 =	simm.s32 $0x7400  }
0x5a: {  	[tilespmem:s31], [sflag:$0x4] =	stream.indirect_vreg.gather [hbm4b:s6+s3], $0x80, v2, vm0, $0xb8;
	[tilespmem:$0x10400] =	vst v63  }
0x5b: {  	s10 =	simm.s32 $0x7C00  }
0x5c: {  	[tilespmem:s10], [sflag:$0x4] =	stream.indirect_vreg.gather [hbm4b:s8+s3], $0x80, v2, vm0, $0xb8;
	[tilespmem:$0x10400] =	vst v63  }
0x5d: {  	v2 =	vld.msk [tilespmem:$0x20], $0xff;
	_ =	sdelay $0x4  }
0x5e: {  	v3 =	vshll.u32 v2, $0x3  }
0x5f: {  	v2 =	vand.u32 $0x7, v2;
	v3 =	vand.u32 $0xFFFFFFC0, v3  }
0x60: {  	v2 =	vor.u32 v2, v3  }
0x61: {  	v2 =	vperm.xlane v2, v0;
	_ =	sdelay $0x1  }
0x62: {  	v2 =	vadd.s32 v1, v2;
	_ =	sdelay $0x3  }
0x63: {  	s10 =	simm.s32 $0x8400  }
0x64: {  	[tilespmem:s10], [sflag:$0x5] =	stream.indirect_vreg.gather [hbm4b:s1+s3], $0x80, v2, vm0, $0xb8;
	[tilespmem:$0x10400] =	vst v63  }
0x65: {  	s21 =	simm.s32 $0x8C00  }
0x66: {  	[tilespmem:s21], [sflag:$0x5] =	stream.indirect_vreg.gather [hbm4b:s5+s3], $0x80, v2, vm0, $0xb8;
	[tilespmem:$0x10400] =	vst v63  }
0x67: {  	s31 =	simm.s32 $0x9400  }
0x68: {  	[tilespmem:s31], [sflag:$0x5] =	stream.indirect_vreg.gather [hbm4b:s6+s3], $0x80, v2, vm0, $0xb8;
	[tilespmem:$0x10400] =	vst v63  }
0x69: {  	s21 =	simm.s32 $0x9C00  }
0x6a: {  	[tilespmem:s21], [sflag:$0x5] =	stream.indirect_vreg.gather [hbm4b:s8+s3], $0x80, v2, vm0, $0xb8;
	[tilespmem:$0x10400] =	vst v63  }
0x6b: {  	v2 =	vld.msk [tilespmem:$0x28], $0xff;
	_ =	sdelay $0x4  }
0x6c: {  	v3 =	vshll.u32 v2, $0x3  }
0x6d: {  	v2 =	vand.u32 $0x7, v2;
	v3 =	vand.u32 $0xFFFFFFC0, v3  }
0x6e: {  	v2 =	vor.u32 v2, v3  }
0x6f: {  	v2 =	vperm.xlane v2, v0;
	_ =	sdelay $0x1  }
0x70: {  	v2 =	vadd.s32 v1, v2;
	_ =	sdelay $0x3  }
0x71: {  	s21 =	simm.s32 $0xA400  }
0x72: {  	[tilespmem:s21], [sflag:$0x6] =	stream.indirect_vreg.gather [hbm4b:s1+s3], $0x80, v2, vm0, $0xb8;
	[tilespmem:$0x10400] =	vst v63  }
0x73: {  	s31 =	simm.s32 $0xAC00  }
0x74: {  	[tilespmem:s31], [sflag:$0x6] =	stream.indirect_vreg.gather [hbm4b:s5+s3], $0x80, v2, vm0, $0xb8;
	[tilespmem:$0x10400] =	vst v63  }
0x75: {  	s31 =	simm.s32 $0xB400  }
0x76: {  	[tilespmem:s31], [sflag:$0x6] =	stream.indirect_vreg.gather [hbm4b:s6+s3], $0x80, v2, vm0, $0xb8;
	[tilespmem:$0x10400] =	vst v63  }
0x77: {  	s31 =	simm.s32 $0xBC00  }
0x78: {  	[tilespmem:s31], [sflag:$0x6] =	stream.indirect_vreg.gather [hbm4b:s8+s3], $0x80, v2, vm0, $0xb8;
	[tilespmem:$0x10400] =	vst v63  }
0x79: {  	v2 =	vld.msk [tilespmem:$0x30], $0xff;
	_ =	sdelay $0x4  }
0x7a: {  	v3 =	vshll.u32 v2, $0x3  }
0x7b: {  	v2 =	vand.u32 $0x7, v2;
	v3 =	vand.u32 $0xFFFFFFC0, v3  }
0x7c: {  	v2 =	vor.u32 v2, v3  }
0x7d: {  	v2 =	vperm.xlane v2, v0;
	_ =	sdelay $0x1  }
0x7e: {  	v2 =	vadd.s32 v1, v2;
	_ =	sdelay $0x3  }
0x7f: {  	s31 =	simm.s32 $0xC400  }
0x80: {  	[tilespmem:s31], [sflag:$0x7] =	stream.indirect_vreg.gather [hbm4b:s1+s3], $0x80, v2, vm0, $0xb8;
	[tilespmem:$0x10400] =	vst v63  }
0x81: {  	s0 =	simm.s32 $0xCC00  }
0x82: {  	[tilespmem:s0], [sflag:$0x7] =	stream.indirect_vreg.gather [hbm4b:s5+s3], $0x80, v2, vm0, $0xb8;
	[tilespmem:$0x10400] =	vst v63  }
0x83: {  	s0 =	simm.s32 $0xD400  }
0x84: {  	[tilespmem:s0], [sflag:$0x7] =	stream.indirect_vreg.gather [hbm4b:s6+s3], $0x80, v2, vm0, $0xb8;
	[tilespmem:$0x10400] =	vst v63  }
0x85: {  	s0 =	simm.s32 $0xDC00  }
0x86: {  	[tilespmem:s0], [sflag:$0x7] =	stream.indirect_vreg.gather [hbm4b:s8+s3], $0x80, v2, vm0, $0xb8;
	[tilespmem:$0x10400] =	vst v63  }
0x87: {  	v2 =	vld.msk [tilespmem:$0x38], $0xff;
	_ =	sdelay $0x4  }
0x88: {  	v3 =	vshll.u32 v2, $0x3  }
0x89: {  	v2 =	vand.u32 $0x7, v2;
	v3 =	vand.u32 $0xFFFFFFC0, v3  }
0x8a: {  	v2 =	vor.u32 v2, v3  }
0x8b: {  	v2 =	vperm.xlane v2, v0;
	_ =	sdelay $0x1  }
0x8c: {  	v2 =	vadd.s32 v1, v2;
	_ =	sdelay $0x3  }
0x8d: {  	s0 =	simm.s32 $0xE400  }
0x8e: {  	[tilespmem:s0], [sflag:$0x8] =	stream.indirect_vreg.gather [hbm4b:s1+s3], $0x80, v2, vm0, $0xb8;
	[tilespmem:$0x10400] =	vst v63  }
0x8f: {  	s0 =	simm.s32 $0xEC00  }
0x90: {  	[tilespmem:s0], [sflag:$0x8] =	stream.indirect_vreg.gather [hbm4b:s5+s3], $0x80, v2, vm0, $0xb8;
	[tilespmem:$0x10400] =	vst v63  }
0x91: {  	s0 =	simm.s32 $0xF400  }
0x92: {  	[tilespmem:s0], [sflag:$0x8] =	stream.indirect_vreg.gather [hbm4b:s6+s3], $0x80, v2, vm0, $0xb8;
	[tilespmem:$0x10400] =	vst v63  }
0x93: {  	s0 =	simm.s32 $0xFC00  }
0x94: {  	[tilespmem:s0], [sflag:$0x8] =	stream.indirect_vreg.gather [hbm4b:s8+s3], $0x80, v2, vm0, $0xb8;
	[tilespmem:$0x10400] =	vst v63  }
0x95: {  	s0 =	simm.s32 $0x1  }
0x96: {  	_ =	swait.ge [sflag:s0], $0x2000  }
0x97: {  	[sflag:s0] =	ssyncset.done $0x0  }
0x98: {  	s4 =	simm.s32 $0x400;
	[sflag:s0] =	ssyncadd.s32 $0xFFFFE000;
	s0 =	rddreg [dreg:$0x6]  }
0x99: {  	[hbm4b:s0+s3] =	stream.linear.scatter [tilespmem:s4], [sflag:$0x9], $0x2000, $0x38;
	[tilespmem:$0x10400] =	vst v63  }
0x9a: {  	s0 =	simm.s32 $0x2  }
0x9b: {  	_ =	swait.ge [sflag:s0], $0x2000  }
0x9c: {  	[sflag:s0] =	ssyncset.done $0x0  }
0x9d: {  	s11 =	simm.s32 $0x2400;
	[sflag:s0] =	ssyncadd.s32 $0xFFFFE000;
	s0 =	rddreg [dreg:$0x7]  }
0x9e: {  	[hbm4b:s0+s3] =	stream.linear.scatter [tilespmem:s11], [sflag:$0xA], $0x2000, $0x38;
	[tilespmem:$0x10400] =	vst v63  }
0x9f: {  	_ =	swait.ge [sflag:s12], $0x2000  }
0xa0: {  	[sflag:s12] =	ssyncset.done $0x0  }
0xa1: {  	s11 =	simm.s32 $0x4400;
	s0 =	rddreg [dreg:$0x8];
	[sflag:s12] =	ssyncadd.s32 $0xFFFFE000  }
0xa2: {  	[hbm4b:s0+s3] =	stream.linear.scatter [tilespmem:s11], [sflag:$0xB], $0x2000, $0x38;
	[tilespmem:$0x10400] =	vst v63  }
0xa3: {  	_ =	swait.ge [sflag:s14], $0x2000  }
0xa4: {  	[sflag:s14] =	ssyncset.done $0x0  }
0xa5: {  	s11 =	simm.s32 $0x6400;
	s0 =	rddreg [dreg:$0x9];
	[sflag:s14] =	ssyncadd.s32 $0xFFFFE000  }
0xa6: {  	[hbm4b:s0+s3] =	stream.linear.scatter [tilespmem:s11], [sflag:$0xC], $0x2000, $0x38;
	[tilespmem:$0x10400] =	vst v63  }
0xa7: {  	_ =	swait.ge [sflag:s15], $0x2000  }
0xa8: {  	[sflag:s15] =	ssyncset.done $0x0  }
0xa9: {  	s0 =	rddreg [dreg:$0xa];
	[sflag:s15] =	ssyncadd.s32 $0xFFFFE000  }
0xaa: {  	[hbm4b:s0+s3] =	stream.linear.scatter [tilespmem:s10], [sflag:$0xD], $0x2000, $0x38;
	[tilespmem:$0x10400] =	vst v63  }
0xab: {  	_ =	swait.ge [sflag:s16], $0x2000  }
0xac: {  	[sflag:s16] =	ssyncset.done $0x0  }
0xad: {  	[sflag:s16] =	ssyncadd.s32 $0xFFFFE000  }
0xae: {  	v2 =	vld.msk [tilespmem:$0x40], $0xff;
	_ =	sdelay $0x4  }
0xaf: {  	v3 =	vshll.u32 v2, $0x3  }
0xb0: {  	v2 =	vand.u32 $0x7, v2;
	v3 =	vand.u32 $0xFFFFFFC0, v3  }
0xb1: {  	v2 =	vor.u32 v2, v3  }
0xb2: {  	v2 =	vperm.xlane v2, v0;
	_ =	sdelay $0x1  }
0xb3: {  	v2 =	vadd.s32 v1, v2;
	_ =	sdelay $0x3  }
0xb4: {  	s4 =	simm.s32 $0x400  }
0xb5: {  	[tilespmem:s4], [sflag:$0x1] =	stream.indirect_vreg.gather [hbm4b:s1+s3], $0x80, v2, vm0, $0xb8;
	[tilespmem:$0x10400] =	vst v63  }
0xb6: {  	_ = 	snop  }
0xb7: {  	[tilespmem:s9], [sflag:$0x1] =	stream.indirect_vreg.gather [hbm4b:s5+s3], $0x80, v2, vm0, $0xb8;
	[tilespmem:$0x10400] =	vst v63  }
0xb8: {  	_ = 	snop  }
0xb9: {  	[tilespmem:s13], [sflag:$0x1] =	stream.indirect_vreg.gather [hbm4b:s6+s3], $0x80, v2, vm0, $0xb8;
	[tilespmem:$0x10400] =	vst v63  }
0xba: {  	_ = 	snop  }
0xbb: {  	[tilespmem:s17], [sflag:$0x1] =	stream.indirect_vreg.gather [hbm4b:s8+s3], $0x80, v2, vm0, $0xb8;
	[tilespmem:$0x10400] =	vst v63  }
0xbc: {  	_ =	swait.ge [sflag:s18], $0x2000  }
0xbd: {  	[sflag:s18] =	ssyncset.done $0x0  }
0xbe: {  	s17 =	rddreg [dreg:$0xb];
	[sflag:s18] =	ssyncadd.s32 $0xFFFFE000  }
0xbf: {  	[hbm4b:s17+s3] =	stream.linear.scatter [tilespmem:s21], [sflag:$0xE], $0x2000, $0x38;
	[tilespmem:$0x10400] =	vst v63  }
0xc0: {  	_ =	swait.ge [sflag:s19], $0x2000  }
0xc1: {  	[sflag:s19] =	ssyncset.done $0x0  }
0xc2: {  	[sflag:s19] =	ssyncadd.s32 $0xFFFFE000  }
0xc3: {  	v2 =	vld.msk [tilespmem:$0x48], $0xff;
	_ =	sdelay $0x4  }
0xc4: {  	v3 =	vshll.u32 v2, $0x3  }
0xc5: {  	v2 =	vand.u32 $0x7, v2;
	v3 =	vand.u32 $0xFFFFFFC0, v3  }
0xc6: {  	v2 =	vor.u32 v2, v3  }
0xc7: {  	v2 =	vperm.xlane v2, v0;
	_ =	sdelay $0x1  }
0xc8: {  	v2 =	vadd.s32 v1, v2;
	_ =	sdelay $0x3  }
0xc9: {  	s21 =	simm.s32 $0x2400  }
0xca: {  	[tilespmem:s21], [sflag:$0x2] =	stream.indirect_vreg.gather [hbm4b:s1+s3], $0x80, v2, vm0, $0xb8;
	[tilespmem:$0x10400] =	vst v63  }
0xcb: {  	_ = 	snop  }
0xcc: {  	[tilespmem:s7], [sflag:$0x2] =	stream.indirect_vreg.gather [hbm4b:s5+s3], $0x80, v2, vm0, $0xb8;
	[tilespmem:$0x10400] =	vst v63  }
0xcd: {  	_ = 	snop  }
0xce: {  	[tilespmem:s26], [sflag:$0x2] =	stream.indirect_vreg.gather [hbm4b:s6+s3], $0x80, v2, vm0, $0xb8;
	[tilespmem:$0x10400] =	vst v63  }
0xcf: {  	_ = 	snop  }
0xd0: {  	[tilespmem:s30], [sflag:$0x2] =	stream.indirect_vreg.gather [hbm4b:s8+s3], $0x80, v2, vm0, $0xb8;
	[tilespmem:$0x10400] =	vst v63  }
0xd1: {  	_ =	swait.ge [sflag:s20], $0x2000  }
0xd2: {  	[sflag:s20] =	ssyncset.done $0x0  }
0xd3: {  	s4 =	rddreg [dreg:$0xc];
	[sflag:s20] =	ssyncadd.s32 $0xFFFFE000  }
0xd4: {  	[hbm4b:s4+s3] =	stream.linear.scatter [tilespmem:s31], [sflag:$0xF], $0x2000, $0x38;
	[tilespmem:$0x10400] =	vst v63  }
0xd5: {  	_ =	swait.ge [sflag:s22], $0x2000  }
0xd6: {  	[sflag:s22] =	ssyncset.done $0x0  }
0xd7: {  	[sflag:s22] =	ssyncadd.s32 $0xFFFFE000  }
0xd8: {  	v2 =	vld.msk [tilespmem:$0x50], $0xff;
	_ =	sdelay $0x4  }
0xd9: {  	v3 =	vshll.u32 v2, $0x3  }
0xda: {  	v2 =	vand.u32 $0x7, v2;
	v3 =	vand.u32 $0xFFFFFFC0, v3  }
0xdb: {  	v2 =	vor.u32 v2, v3  }
0xdc: {  	v2 =	vperm.xlane v2, v0;
	_ =	sdelay $0x1  }
0xdd: {  	v2 =	vadd.s32 v1, v2;
	_ =	sdelay $0x3  }
0xde: {  	s7 =	simm.s32 $0x4400  }
0xdf: {  	[tilespmem:s7], [sflag:$0x3] =	stream.indirect_vreg.gather [hbm4b:s1+s3], $0x80, v2, vm0, $0xb8;
	[tilespmem:$0x10400] =	vst v63  }
0xe0: {  	s9 =	simm.s32 $0x4C00  }
0xe1: {  	[tilespmem:s9], [sflag:$0x3] =	stream.indirect_vreg.gather [hbm4b:s5+s3], $0x80, v2, vm0, $0xb8;
	[tilespmem:$0x10400] =	vst v63  }
0xe2: {  	s10 =	simm.s32 $0x5400  }
0xe3: {  	[tilespmem:s10], [sflag:$0x3] =	stream.indirect_vreg.gather [hbm4b:s6+s3], $0x80, v2, vm0, $0xb8;
	[tilespmem:$0x10400] =	vst v63  }
0xe4: {  	s13 =	simm.s32 $0x5C00  }
0xe5: {  	[tilespmem:s13], [sflag:$0x3] =	stream.indirect_vreg.gather [hbm4b:s8+s3], $0x80, v2, vm0, $0xb8;
	[tilespmem:$0x10400] =	vst v63  }
0xe6: {  	_ =	swait.ge [sflag:s23], $0x2000  }
0xe7: {  	[sflag:s23] =	ssyncset.done $0x0  }
0xe8: {  	s21 =	simm.s32 $0xE400;
	s17 =	rddreg [dreg:$0xd];
	[sflag:s23] =	ssyncadd.s32 $0xFFFFE000  }
0xe9: {  	[hbm4b:s17+s3] =	stream.linear.scatter [tilespmem:s21], [sflag:$0x10], $0x2000, $0x38;
	[tilespmem:$0x10400] =	vst v63  }
0xea: {  	_ =	swait.ge [sflag:s24], $0x2000  }
0xeb: {  	[sflag:s24] =	ssyncset.done $0x0  }
0xec: {  	[sflag:s24] =	ssyncadd.s32 $0xFFFFE000  }
0xed: {  	v2 =	vld.msk [tilespmem:$0x58], $0xff;
	_ =	sdelay $0x4  }
0xee: {  	v3 =	vshll.u32 v2, $0x3  }
0xef: {  	v2 =	vand.u32 $0x7, v2;
	v3 =	vand.u32 $0xFFFFFFC0, v3  }
0xf0: {  	v2 =	vor.u32 v2, v3  }
0xf1: {  	v2 =	vperm.xlane v2, v0;
	_ =	sdelay $0x1  }
0xf2: {  	v2 =	vadd.s32 v1, v2;
	_ =	sdelay $0x3  }
0xf3: {  	s11 =	simm.s32 $0x6400  }
0xf4: {  	[tilespmem:s11], [sflag:$0x4] =	stream.indirect_vreg.gather [hbm4b:s1+s3], $0x80, v2, vm0, $0xb8;
	[tilespmem:$0x10400] =	vst v63  }
0xf5: {  	s26 =	simm.s32 $0x6C00  }
0xf6: {  	[tilespmem:s26], [sflag:$0x4] =	stream.indirect_vreg.gather [hbm4b:s5+s3], $0x80, v2, vm0, $0xb8;
	[tilespmem:$0x10400] =	vst v63  }
0xf7: {  	s30 =	simm.s32 $0x7400  }
0xf8: {  	[tilespmem:s30], [sflag:$0x4] =	stream.indirect_vreg.gather [hbm4b:s6+s3], $0x80, v2, vm0, $0xb8;
	[tilespmem:$0x10400] =	vst v63  }
0xf9: {  	s0 =	simm.s32 $0x98;
	s31 =	simm.s32 $0x7C00;
	s4 =	simm.s32 $0x0  }
0xfa: {  	[tilespmem:s31], [sflag:$0x4] =	stream.indirect_vreg.gather [hbm4b:s8+s3], $0x80, v2, vm0, $0xb8;
	[tilespmem:$0x10400] =	vst v63  }
.LBB2_2:
0xfb: {  	s7 =	simm.s32 $0x1  }
0xfc: {  	_ =	swait.ge [sflag:s7], $0x2000  }
0xfd: {  	s26 =	rddreg [dreg:$0x4]  }
0xfe: {  	[sflag:s7] =	ssyncset.done $0x0;
	s26 =	sadd.s32 s4, s26  }
0xff: {  	s9 =	simm.s32 $0x400;
	[sflag:s7] =	ssyncadd.s32 $0xFFFFE000;
	s31 =	sadd.s32 $0x2000, s26  }
0x100: {  	[hbm4b:s31+s3] =	stream.linear.scatter [tilespmem:s9], [sflag:$0x9], $0x2000, $0x38;
	[tilespmem:$0x10400] =	vst v63  }
0x101: {  	_ =	swait.ge [sflag:s25], $0x2000  }
0x102: {  	[sflag:s25] =	ssyncset.done $0x0  }
0x103: {  	[sflag:s25] =	ssyncadd.s32 $0xFFFFE000  }
0x104: {  	v2 =	vld.msk [tilespmem:s0+$0xFFFFFFC8], $0xff;
	_ =	sdelay $0x4  }
0x105: {  	v3 =	vshll.u32 v2, $0x3  }
0x106: {  	v2 =	vand.u32 $0x7, v2;
	v3 =	vand.u32 $0xFFFFFFC0, v3  }
0x107: {  	v2 =	vor.u32 v2, v3  }
0x108: {  	v2 =	vperm.xlane v2, v0;
	_ =	sdelay $0x1  }
0x109: {  	v2 =	vadd.s32 v1, v2;
	_ =	sdelay $0x3  }
0x10a: {  	s13 =	simm.s32 $0x8400  }
0x10b: {  	[tilespmem:s13], [sflag:$0x5] =	stream.indirect_vreg.gather [hbm4b:s1+s3], $0x80, v2, vm0, $0xb8;
	[tilespmem:$0x10400] =	vst v63  }
0x10c: {  	s21 =	simm.s32 $0x8C00  }
0x10d: {  	[tilespmem:s21], [sflag:$0x5] =	stream.indirect_vreg.gather [hbm4b:s5+s3], $0x80, v2, vm0, $0xb8;
	[tilespmem:$0x10400] =	vst v63  }
0x10e: {  	s10 =	simm.s32 $0x9400  }
0x10f: {  	[tilespmem:s10], [sflag:$0x5] =	stream.indirect_vreg.gather [hbm4b:s6+s3], $0x80, v2, vm0, $0xb8;
	[tilespmem:$0x10400] =	vst v63  }
0x110: {  	s11 =	simm.s32 $0x9C00;
	s17 =	simm.s32 $0x2  }
0x111: {  	[tilespmem:s11], [sflag:$0x5] =	stream.indirect_vreg.gather [hbm4b:s8+s3], $0x80, v2, vm0, $0xb8;
	[tilespmem:$0x10400] =	vst v63  }
0x112: {  	_ =	swait.ge [sflag:s17], $0x2000  }
0x113: {  	[sflag:s17] =	ssyncset.done $0x0  }
0x114: {  	s7 =	simm.s32 $0x2400;
	s31 =	sadd.s32 $0x2400, s26;
	[sflag:s17] =	ssyncadd.s32 $0xFFFFE000  }
0x115: {  	[hbm4b:s31+s3] =	stream.linear.scatter [tilespmem:s7], [sflag:$0xA], $0x2000, $0x38;
	[tilespmem:$0x10400] =	vst v63  }
0x116: {  	_ =	swait.ge [sflag:s28], $0x2000  }
0x117: {  	[sflag:s28] =	ssyncset.done $0x0  }
0x118: {  	[sflag:s28] =	ssyncadd.s32 $0xFFFFE000  }
0x119: {  	v2 =	vld.msk [tilespmem:s0+$0xFFFFFFD0], $0xff;
	_ =	sdelay $0x4  }
0x11a: {  	v3 =	vshll.u32 v2, $0x3  }
0x11b: {  	v2 =	vand.u32 $0x7, v2;
	v3 =	vand.u32 $0xFFFFFFC0, v3  }
0x11c: {  	v2 =	vor.u32 v2, v3  }
0x11d: {  	v2 =	vperm.xlane v2, v0;
	_ =	sdelay $0x1  }
0x11e: {  	v2 =	vadd.s32 v1, v2;
	_ =	sdelay $0x3  }
0x11f: {  	s30 =	simm.s32 $0xA400  }
0x120: {  	[tilespmem:s30], [sflag:$0x6] =	stream.indirect_vreg.gather [hbm4b:s1+s3], $0x80, v2, vm0, $0xb8;
	[tilespmem:$0x10400] =	vst v63  }
0x121: {  	s17 =	simm.s32 $0xAC00  }
0x122: {  	[tilespmem:s17], [sflag:$0x6] =	stream.indirect_vreg.gather [hbm4b:s5+s3], $0x80, v2, vm0, $0xb8;
	[tilespmem:$0x10400] =	vst v63  }
0x123: {  	s21 =	simm.s32 $0xB400  }
0x124: {  	[tilespmem:s21], [sflag:$0x6] =	stream.indirect_vreg.gather [hbm4b:s6+s3], $0x80, v2, vm0, $0xb8;
	[tilespmem:$0x10400] =	vst v63  }
0x125: {  	s10 =	simm.s32 $0xBC00  }
0x126: {  	[tilespmem:s10], [sflag:$0x6] =	stream.indirect_vreg.gather [hbm4b:s8+s3], $0x80, v2, vm0, $0xb8;
	[tilespmem:$0x10400] =	vst v63  }
0x127: {  	_ =	swait.ge [sflag:s12], $0x2000  }
0x128: {  	[sflag:s12] =	ssyncset.done $0x0  }
0x129: {  	s31 =	sadd.s32 $0x2800, s26;
	s21 =	simm.s32 $0x4400;
	[sflag:s12] =	ssyncadd.s32 $0xFFFFE000  }
0x12a: {  	[hbm4b:s31+s3] =	stream.linear.scatter [tilespmem:s21], [sflag:$0xB], $0x2000, $0x38;
	[tilespmem:$0x10400] =	vst v63  }
0x12b: {  	_ =	swait.ge [sflag:s29], $0x2000  }
0x12c: {  	[sflag:s29] =	ssyncset.done $0x0  }
0x12d: {  	[sflag:s29] =	ssyncadd.s32 $0xFFFFE000  }
0x12e: {  	v2 =	vld.msk [tilespmem:s0+$0xFFFFFFD8], $0xff;
	_ =	sdelay $0x4  }
0x12f: {  	v3 =	vshll.u32 v2, $0x3  }
0x130: {  	v2 =	vand.u32 $0x7, v2;
	v3 =	vand.u32 $0xFFFFFFC0, v3  }
0x131: {  	v2 =	vor.u32 v2, v3  }
0x132: {  	v2 =	vperm.xlane v2, v0;
	_ =	sdelay $0x1  }
0x133: {  	v2 =	vadd.s32 v1, v2;
	_ =	sdelay $0x3  }
0x134: {  	s10 =	simm.s32 $0xC400  }
0x135: {  	[tilespmem:s10], [sflag:$0x7] =	stream.indirect_vreg.gather [hbm4b:s1+s3], $0x80, v2, vm0, $0xb8;
	[tilespmem:$0x10400] =	vst v63  }
0x136: {  	s11 =	simm.s32 $0xCC00  }
0x137: {  	[tilespmem:s11], [sflag:$0x7] =	stream.indirect_vreg.gather [hbm4b:s5+s3], $0x80, v2, vm0, $0xb8;
	[tilespmem:$0x10400] =	vst v63  }
0x138: {  	s11 =	simm.s32 $0xD400  }
0x139: {  	[tilespmem:s11], [sflag:$0x7] =	stream.indirect_vreg.gather [hbm4b:s6+s3], $0x80, v2, vm0, $0xb8;
	[tilespmem:$0x10400] =	vst v63  }
0x13a: {  	s11 =	simm.s32 $0xDC00  }
0x13b: {  	[tilespmem:s11], [sflag:$0x7] =	stream.indirect_vreg.gather [hbm4b:s8+s3], $0x80, v2, vm0, $0xb8;
	[tilespmem:$0x10400] =	vst v63  }
0x13c: {  	_ =	swait.ge [sflag:s14], $0x2000  }
0x13d: {  	[sflag:s14] =	ssyncset.done $0x0  }
0x13e: {  	s17 =	simm.s32 $0x6400;
	s31 =	sadd.s32 $0x2C00, s26;
	[sflag:s14] =	ssyncadd.s32 $0xFFFFE000  }
0x13f: {  	[hbm4b:s31+s3] =	stream.linear.scatter [tilespmem:s17], [sflag:$0xC], $0x2000, $0x38;
	[tilespmem:$0x10400] =	vst v63  }
0x140: {  	_ =	swait.ge [sflag:s2], $0x2000  }
0x141: {  	[sflag:s2] =	ssyncset.done $0x0  }
0x142: {  	[sflag:s2] =	ssyncadd.s32 $0xFFFFE000  }
0x143: {  	v2 =	vld.msk [tilespmem:s0+$0xFFFFFFE0], $0xff;
	_ =	sdelay $0x4  }
0x144: {  	v3 =	vshll.u32 v2, $0x3  }
0x145: {  	v2 =	vand.u32 $0x7, v2;
	v3 =	vand.u32 $0xFFFFFFC0, v3  }
0x146: {  	v2 =	vor.u32 v2, v3  }
0x147: {  	v2 =	vperm.xlane v2, v0;
	_ =	sdelay $0x1  }
0x148: {  	v2 =	vadd.s32 v1, v2;
	_ =	sdelay $0x3  }
0x149: {  	s11 =	simm.s32 $0xE400  }
0x14a: {  	[tilespmem:s11], [sflag:$0x8] =	stream.indirect_vreg.gather [hbm4b:s1+s3], $0x80, v2, vm0, $0xb8;
	[tilespmem:$0x10400] =	vst v63  }
0x14b: {  	s31 =	simm.s32 $0xEC00  }
0x14c: {  	[tilespmem:s31], [sflag:$0x8] =	stream.indirect_vreg.gather [hbm4b:s5+s3], $0x80, v2, vm0, $0xb8;
	[tilespmem:$0x10400] =	vst v63  }
0x14d: {  	s31 =	simm.s32 $0xF400  }
0x14e: {  	[tilespmem:s31], [sflag:$0x8] =	stream.indirect_vreg.gather [hbm4b:s6+s3], $0x80, v2, vm0, $0xb8;
	[tilespmem:$0x10400] =	vst v63  }
0x14f: {  	s31 =	simm.s32 $0xFC00  }
0x150: {  	[tilespmem:s31], [sflag:$0x8] =	stream.indirect_vreg.gather [hbm4b:s8+s3], $0x80, v2, vm0, $0xb8;
	[tilespmem:$0x10400] =	vst v63  }
0x151: {  	_ =	swait.ge [sflag:s15], $0x2000  }
0x152: {  	[sflag:s15] =	ssyncset.done $0x0  }
0x153: {  	s31 =	sadd.s32 $0x3000, s26;
	[sflag:s15] =	ssyncadd.s32 $0xFFFFE000  }
0x154: {  	[hbm4b:s31+s3] =	stream.linear.scatter [tilespmem:s13], [sflag:$0xD], $0x2000, $0x38;
	[tilespmem:$0x10400] =	vst v63  }
0x155: {  	_ =	swait.ge [sflag:s16], $0x2000  }
0x156: {  	[sflag:s16] =	ssyncset.done $0x0  }
0x157: {  	[sflag:s16] =	ssyncadd.s32 $0xFFFFE000  }
0x158: {  	v2 =	vld.msk [tilespmem:s0+$0xFFFFFFE8], $0xff;
	_ =	sdelay $0x4  }
0x159: {  	v3 =	vshll.u32 v2, $0x3  }
0x15a: {  	v2 =	vand.u32 $0x7, v2;
	v3 =	vand.u32 $0xFFFFFFC0, v3  }
0x15b: {  	v2 =	vor.u32 v2, v3  }
0x15c: {  	v2 =	vperm.xlane v2, v0;
	_ =	sdelay $0x1  }
0x15d: {  	v2 =	vadd.s32 v1, v2;
	_ =	sdelay $0x4  }
0x15e: {  	[tilespmem:s9], [sflag:$0x1] =	stream.indirect_vreg.gather [hbm4b:s1+s3], $0x80, v2, vm0, $0xb8;
	[tilespmem:$0x10400] =	vst v63  }
0x15f: {  	s9 =	simm.s32 $0xC00  }
0x160: {  	[tilespmem:s9], [sflag:$0x1] =	stream.indirect_vreg.gather [hbm4b:s5+s3], $0x80, v2, vm0, $0xb8;
	[tilespmem:$0x10400] =	vst v63  }
0x161: {  	s31 =	simm.s32 $0x1400  }
0x162: {  	[tilespmem:s31], [sflag:$0x1] =	stream.indirect_vreg.gather [hbm4b:s6+s3], $0x80, v2, vm0, $0xb8;
	[tilespmem:$0x10400] =	vst v63  }
0x163: {  	s31 =	simm.s32 $0x1C00  }
0x164: {  	[tilespmem:s31], [sflag:$0x1] =	stream.indirect_vreg.gather [hbm4b:s8+s3], $0x80, v2, vm0, $0xb8;
	[tilespmem:$0x10400] =	vst v63  }
0x165: {  	_ =	swait.ge [sflag:s18], $0x2000  }
0x166: {  	[sflag:s18] =	ssyncset.done $0x0  }
0x167: {  	s31 =	sadd.s32 $0x3400, s26;
	[sflag:s18] =	ssyncadd.s32 $0xFFFFE000  }
0x168: {  	[hbm4b:s31+s3] =	stream.linear.scatter [tilespmem:s30], [sflag:$0xE], $0x2000, $0x38;
	[tilespmem:$0x10400] =	vst v63  }
0x169: {  	_ =	swait.ge [sflag:s19], $0x2000  }
0x16a: {  	[sflag:s19] =	ssyncset.done $0x0  }
0x16b: {  	[sflag:s19] =	ssyncadd.s32 $0xFFFFE000  }
0x16c: {  	v2 =	vld.msk [tilespmem:s0+$0xFFFFFFF0], $0xff;
	_ =	sdelay $0x4  }
0x16d: {  	v3 =	vshll.u32 v2, $0x3  }
0x16e: {  	v2 =	vand.u32 $0x7, v2;
	v3 =	vand.u32 $0xFFFFFFC0, v3  }
0x16f: {  	v2 =	vor.u32 v2, v3  }
0x170: {  	v2 =	vperm.xlane v2, v0;
	_ =	sdelay $0x1  }
0x171: {  	v2 =	vadd.s32 v1, v2;
	_ =	sdelay $0x4  }
0x172: {  	[tilespmem:s7], [sflag:$0x2] =	stream.indirect_vreg.gather [hbm4b:s1+s3], $0x80, v2, vm0, $0xb8;
	[tilespmem:$0x10400] =	vst v63  }
0x173: {  	s7 =	simm.s32 $0x2C00  }
0x174: {  	[tilespmem:s7], [sflag:$0x2] =	stream.indirect_vreg.gather [hbm4b:s5+s3], $0x80, v2, vm0, $0xb8;
	[tilespmem:$0x10400] =	vst v63  }
0x175: {  	s31 =	simm.s32 $0x3400  }
0x176: {  	[tilespmem:s31], [sflag:$0x2] =	stream.indirect_vreg.gather [hbm4b:s6+s3], $0x80, v2, vm0, $0xb8;
	[tilespmem:$0x10400] =	vst v63  }
0x177: {  	s31 =	simm.s32 $0x3C00  }
0x178: {  	[tilespmem:s31], [sflag:$0x2] =	stream.indirect_vreg.gather [hbm4b:s8+s3], $0x80, v2, vm0, $0xb8;
	[tilespmem:$0x10400] =	vst v63  }
0x179: {  	_ =	swait.ge [sflag:s20], $0x2000  }
0x17a: {  	[sflag:s20] =	ssyncset.done $0x0  }
0x17b: {  	s31 =	sadd.s32 $0x3800, s26;
	[sflag:s20] =	ssyncadd.s32 $0xFFFFE000  }
0x17c: {  	[hbm4b:s31+s3] =	stream.linear.scatter [tilespmem:s10], [sflag:$0xF], $0x2000, $0x38;
	[tilespmem:$0x10400] =	vst v63  }
0x17d: {  	_ =	swait.ge [sflag:s22], $0x2000  }
0x17e: {  	[sflag:s22] =	ssyncset.done $0x0  }
0x17f: {  	[sflag:s22] =	ssyncadd.s32 $0xFFFFE000  }
0x180: {  	v2 =	vld.msk [tilespmem:s0+$0xFFFFFFF8], $0xff;
	_ =	sdelay $0x4  }
0x181: {  	v3 =	vshll.u32 v2, $0x3  }
0x182: {  	v2 =	vand.u32 $0x7, v2;
	v3 =	vand.u32 $0xFFFFFFC0, v3  }
0x183: {  	v2 =	vor.u32 v2, v3  }
0x184: {  	v2 =	vperm.xlane v2, v0;
	_ =	sdelay $0x1  }
0x185: {  	v2 =	vadd.s32 v1, v2;
	_ =	sdelay $0x4  }
0x186: {  	[tilespmem:s21], [sflag:$0x3] =	stream.indirect_vreg.gather [hbm4b:s1+s3], $0x80, v2, vm0, $0xb8;
	[tilespmem:$0x10400] =	vst v63  }
0x187: {  	s21 =	simm.s32 $0x4C00  }
0x188: {  	[tilespmem:s21], [sflag:$0x3] =	stream.indirect_vreg.gather [hbm4b:s5+s3], $0x80, v2, vm0, $0xb8;
	[tilespmem:$0x10400] =	vst v63  }
0x189: {  	s21 =	simm.s32 $0x5400  }
0x18a: {  	[tilespmem:s21], [sflag:$0x3] =	stream.indirect_vreg.gather [hbm4b:s6+s3], $0x80, v2, vm0, $0xb8;
	[tilespmem:$0x10400] =	vst v63  }
0x18b: {  	s21 =	simm.s32 $0x5C00  }
0x18c: {  	[tilespmem:s21], [sflag:$0x3] =	stream.indirect_vreg.gather [hbm4b:s8+s3], $0x80, v2, vm0, $0xb8;
	[tilespmem:$0x10400] =	vst v63  }
0x18d: {  	_ =	swait.ge [sflag:s23], $0x2000  }
0x18e: {  	[sflag:s23] =	ssyncset.done $0x0  }
0x18f: {  	s26 =	sadd.s32 $0x3C00, s26;
	[sflag:s23] =	ssyncadd.s32 $0xFFFFE000  }
0x190: {  	[hbm4b:s26+s3] =	stream.linear.scatter [tilespmem:s11], [sflag:$0x10], $0x2000, $0x38;
	[tilespmem:$0x10400] =	vst v63  }
0x191: {  	_ =	swait.ge [sflag:s24], $0x2000  }
0x192: {  	[sflag:s24] =	ssyncset.done $0x0  }
0x193: {  	[sflag:s24] =	ssyncadd.s32 $0xFFFFE000  }
0x194: {  	v2 =	vld.msk [tilespmem:s0+$0x0], $0xff;
	_ =	sdelay $0x4  }
0x195: {  	v3 =	vshll.u32 v2, $0x3  }
0x196: {  	v2 =	vand.u32 $0x7, v2;
	v3 =	vand.u32 $0xFFFFFFC0, v3  }
0x197: {  	v2 =	vor.u32 v2, v3  }
0x198: {  	v2 =	vperm.xlane v2, v0;
	_ =	sdelay $0x1  }
0x199: {  	v2 =	vadd.s32 v1, v2;
	_ =	sdelay $0x4  }
0x19a: {  	[tilespmem:s17], [sflag:$0x4] =	stream.indirect_vreg.gather [hbm4b:s1+s3], $0x80, v2, vm0, $0xb8;
	[tilespmem:$0x10400] =	vst v63  }
0x19b: {  	p0 =	sne.s32 s4, $0x1A000;
	s11 =	simm.s32 $0x6C00  }
0x19c: {  	[tilespmem:s11], [sflag:$0x4] =	stream.indirect_vreg.gather [hbm4b:s5+s3], $0x80, v2, vm0, $0xb8;
	[tilespmem:$0x10400] =	vst v63  }
.Ltmp0:
0x19d: {  	s4 =	sadd.s32 $0x2000, s4;
	s13 =	simm.s32 $0x400;
	(pc) =	sbr.rel @p0 .LBB2_2-.Ltmp0, $4  }
0x19e: {  	s30 =	simm.s32 $0x2400;
	s31 =	simm.s32 $0x4400;
	s17 =	simm.s32 $0x7400  }
0x19f: {  	[tilespmem:s17], [sflag:$0x4] =	stream.indirect_vreg.gather [hbm4b:s6+s3], $0x80, v2, vm0, $0xb8;
	[tilespmem:$0x10400] =	vst v63  }
0x1a0: {  	s21 =	simm.s32 $0x6400;
	s26 =	simm.s32 $0x7C00;
	s0 =	sadd.s32 $0x40, s0  }
0x1a1: {  	[tilespmem:s26], [sflag:$0x4] =	stream.indirect_vreg.gather [hbm4b:s8+s3], $0x80, v2, vm0, $0xb8;
	[tilespmem:$0x10400] =	vst v63  }
0x1a2: {  	s0 =	simm.s32 $0x1  }
0x1a3: {  	_ =	swait.ge [sflag:s0], $0x2000  }
0x1a4: {  	[sflag:s0] =	ssyncset.done $0x0  }
0x1a5: {  	s11 =	rddreg [dreg:$0xe];
	[sflag:s0] =	ssyncadd.s32 $0xFFFFE000  }
0x1a6: {  	[hbm4b:s11+s3] =	stream.linear.scatter [tilespmem:s13], [sflag:$0x9], $0x2000, $0x38;
	[tilespmem:$0x10400] =	vst v63  }
0x1a7: {  	_ =	swait.ge [sflag:s25], $0x2000  }
0x1a8: {  	[sflag:s25] =	ssyncset.done $0x0  }
0x1a9: {  	[sflag:s25] =	ssyncadd.s32 $0xFFFFE000  }
0x1aa: {  	v2 =	vld.msk [tilespmem:$0x3E0], $0xff;
	_ =	sdelay $0x4  }
0x1ab: {  	v3 =	vshll.u32 v2, $0x3  }
0x1ac: {  	v2 =	vand.u32 $0x7, v2;
	v3 =	vand.u32 $0xFFFFFFC0, v3  }
0x1ad: {  	v2 =	vor.u32 v2, v3  }
0x1ae: {  	v2 =	vperm.xlane v2, v0;
	_ =	sdelay $0x1  }
0x1af: {  	v2 =	vadd.s32 v1, v2;
	_ =	sdelay $0x3  }
0x1b0: {  	s4 =	simm.s32 $0x8400  }
0x1b1: {  	[tilespmem:s4], [sflag:$0x5] =	stream.indirect_vreg.gather [hbm4b:s1+s3], $0x80, v2, vm0, $0xb8;
	[tilespmem:$0x10400] =	vst v63  }
0x1b2: {  	s17 =	simm.s32 $0x8C00  }
0x1b3: {  	[tilespmem:s17], [sflag:$0x5] =	stream.indirect_vreg.gather [hbm4b:s5+s3], $0x80, v2, vm0, $0xb8;
	[tilespmem:$0x10400] =	vst v63  }
0x1b4: {  	s26 =	simm.s32 $0x9400  }
0x1b5: {  	[tilespmem:s26], [sflag:$0x5] =	stream.indirect_vreg.gather [hbm4b:s6+s3], $0x80, v2, vm0, $0xb8;
	[tilespmem:$0x10400] =	vst v63  }
0x1b6: {  	s10 =	simm.s32 $0x9C00;
	s11 =	simm.s32 $0x2  }
0x1b7: {  	[tilespmem:s10], [sflag:$0x5] =	stream.indirect_vreg.gather [hbm4b:s8+s3], $0x80, v2, vm0, $0xb8;
	[tilespmem:$0x10400] =	vst v63  }
0x1b8: {  	_ =	swait.ge [sflag:s11], $0x2000  }
0x1b9: {  	[sflag:s11] =	ssyncset.done $0x0  }
0x1ba: {  	s13 =	rddreg [dreg:$0xf];
	[sflag:s11] =	ssyncadd.s32 $0xFFFFE000  }
0x1bb: {  	[hbm4b:s13+s3] =	stream.linear.scatter [tilespmem:s30], [sflag:$0xA], $0x2000, $0x38;
	[tilespmem:$0x10400] =	vst v63  }
0x1bc: {  	_ =	swait.ge [sflag:s28], $0x2000  }
0x1bd: {  	[sflag:s28] =	ssyncset.done $0x0  }
0x1be: {  	[sflag:s28] =	ssyncadd.s32 $0xFFFFE000  }
0x1bf: {  	v2 =	vld.msk [tilespmem:$0x3E8], $0xff;
	_ =	sdelay $0x4  }
0x1c0: {  	v3 =	vshll.u32 v2, $0x3  }
0x1c1: {  	v2 =	vand.u32 $0x7, v2;
	v3 =	vand.u32 $0xFFFFFFC0, v3  }
0x1c2: {  	v2 =	vor.u32 v2, v3  }
0x1c3: {  	v2 =	vperm.xlane v2, v0;
	_ =	sdelay $0x1  }
0x1c4: {  	v2 =	vadd.s32 v1, v2;
	_ =	sdelay $0x3  }
0x1c5: {  	s13 =	simm.s32 $0xA400  }
0x1c6: {  	[tilespmem:s13], [sflag:$0x6] =	stream.indirect_vreg.gather [hbm4b:s1+s3], $0x80, v2, vm0, $0xb8;
	[tilespmem:$0x10400] =	vst v63  }
0x1c7: {  	s17 =	simm.s32 $0xAC00  }
0x1c8: {  	[tilespmem:s17], [sflag:$0x6] =	stream.indirect_vreg.gather [hbm4b:s5+s3], $0x80, v2, vm0, $0xb8;
	[tilespmem:$0x10400] =	vst v63  }
0x1c9: {  	s26 =	simm.s32 $0xB400  }
0x1ca: {  	[tilespmem:s26], [sflag:$0x6] =	stream.indirect_vreg.gather [hbm4b:s6+s3], $0x80, v2, vm0, $0xb8;
	[tilespmem:$0x10400] =	vst v63  }
0x1cb: {  	s10 =	simm.s32 $0xBC00  }
0x1cc: {  	[tilespmem:s10], [sflag:$0x6] =	stream.indirect_vreg.gather [hbm4b:s8+s3], $0x80, v2, vm0, $0xb8;
	[tilespmem:$0x10400] =	vst v63  }
0x1cd: {  	_ =	swait.ge [sflag:s12], $0x2000  }
0x1ce: {  	[sflag:s12] =	ssyncset.done $0x0  }
0x1cf: {  	s11 =	rddreg [dreg:$0x10];
	[sflag:s12] =	ssyncadd.s32 $0xFFFFE000  }
0x1d0: {  	[hbm4b:s11+s3] =	stream.linear.scatter [tilespmem:s31], [sflag:$0xB], $0x2000, $0x38;
	[tilespmem:$0x10400] =	vst v63  }
0x1d1: {  	_ =	swait.ge [sflag:s29], $0x2000  }
0x1d2: {  	[sflag:s29] =	ssyncset.done $0x0  }
0x1d3: {  	[sflag:s29] =	ssyncadd.s32 $0xFFFFE000  }
0x1d4: {  	v2 =	vld.msk [tilespmem:$0x3F0], $0xff;
	_ =	sdelay $0x4  }
0x1d5: {  	v3 =	vshll.u32 v2, $0x3  }
0x1d6: {  	v2 =	vand.u32 $0x7, v2;
	v3 =	vand.u32 $0xFFFFFFC0, v3  }
0x1d7: {  	v2 =	vor.u32 v2, v3  }
0x1d8: {  	v2 =	vperm.xlane v2, v0;
	_ =	sdelay $0x1  }
0x1d9: {  	v2 =	vadd.s32 v1, v2;
	_ =	sdelay $0x3  }
0x1da: {  	s10 =	simm.s32 $0xC400  }
0x1db: {  	[tilespmem:s10], [sflag:$0x7] =	stream.indirect_vreg.gather [hbm4b:s1+s3], $0x80, v2, vm0, $0xb8;
	[tilespmem:$0x10400] =	vst v63  }
0x1dc: {  	s17 =	simm.s32 $0xCC00  }
0x1dd: {  	[tilespmem:s17], [sflag:$0x7] =	stream.indirect_vreg.gather [hbm4b:s5+s3], $0x80, v2, vm0, $0xb8;
	[tilespmem:$0x10400] =	vst v63  }
0x1de: {  	s26 =	simm.s32 $0xD400  }
0x1df: {  	[tilespmem:s26], [sflag:$0x7] =	stream.indirect_vreg.gather [hbm4b:s6+s3], $0x80, v2, vm0, $0xb8;
	[tilespmem:$0x10400] =	vst v63  }
0x1e0: {  	s31 =	simm.s32 $0xDC00  }
0x1e1: {  	[tilespmem:s31], [sflag:$0x7] =	stream.indirect_vreg.gather [hbm4b:s8+s3], $0x80, v2, vm0, $0xb8;
	[tilespmem:$0x10400] =	vst v63  }
0x1e2: {  	_ =	swait.ge [sflag:s14], $0x2000  }
0x1e3: {  	[sflag:s14] =	ssyncset.done $0x0  }
0x1e4: {  	s11 =	rddreg [dreg:$0x11];
	[sflag:s14] =	ssyncadd.s32 $0xFFFFE000  }
0x1e5: {  	[hbm4b:s11+s3] =	stream.linear.scatter [tilespmem:s21], [sflag:$0xC], $0x2000, $0x38;
	[tilespmem:$0x10400] =	vst v63  }
0x1e6: {  	_ =	swait.ge [sflag:s2], $0x2000  }
0x1e7: {  	[sflag:s2] =	ssyncset.done $0x0  }
0x1e8: {  	[sflag:s2] =	ssyncadd.s32 $0xFFFFE000  }
0x1e9: {  	v2 =	vld.msk [tilespmem:$0x3F8], $0xff;
	_ =	sdelay $0x4  }
0x1ea: {  	v3 =	vshll.u32 v2, $0x3  }
0x1eb: {  	v2 =	vand.u32 $0x7, v2;
	v3 =	vand.u32 $0xFFFFFFC0, v3  }
0x1ec: {  	v2 =	vor.u32 v2, v3  }
0x1ed: {  	v2 =	vperm.xlane v2, v0;
	_ =	sdelay $0x1  }
0x1ee: {  	v2 =	vadd.s32 v1, v2;
	_ =	sdelay $0x3  }
0x1ef: {  	s11 =	simm.s32 $0xE400  }
0x1f0: {  	[tilespmem:s11], [sflag:$0x8] =	stream.indirect_vreg.gather [hbm4b:s1+s3], $0x80, v2, vm0, $0xb8;
	[tilespmem:$0x10400] =	vst v63  }
0x1f1: {  	s17 =	simm.s32 $0xEC00  }
0x1f2: {  	[tilespmem:s17], [sflag:$0x8] =	stream.indirect_vreg.gather [hbm4b:s5+s3], $0x80, v2, vm0, $0xb8;
	[tilespmem:$0x10400] =	vst v63  }
0x1f3: {  	s21 =	simm.s32 $0xF400  }
0x1f4: {  	[tilespmem:s21], [sflag:$0x8] =	stream.indirect_vreg.gather [hbm4b:s6+s3], $0x80, v2, vm0, $0xb8;
	[tilespmem:$0x10400] =	vst v63  }
0x1f5: {  	s26 =	simm.s32 $0xFC00  }
0x1f6: {  	[tilespmem:s26], [sflag:$0x8] =	stream.indirect_vreg.gather [hbm4b:s8+s3], $0x80, v2, vm0, $0xb8;
	[tilespmem:$0x10400] =	vst v63  }
0x1f7: {  	_ =	swait.ge [sflag:s15], $0x2000  }
0x1f8: {  	[sflag:s15] =	ssyncset.done $0x0  }
0x1f9: {  	s31 =	rddreg [dreg:$0x12];
	[sflag:s15] =	ssyncadd.s32 $0xFFFFE000  }
0x1fa: {  	[hbm4b:s31+s3] =	stream.linear.scatter [tilespmem:s4], [sflag:$0xD], $0x2000, $0x38;
	[tilespmem:$0x10400] =	vst v63  }
0x1fb: {  	_ =	swait.ge [sflag:s16], $0x2000  }
0x1fc: {  	[sflag:s16] =	ssyncset.done $0x0  }
0x1fd: {  	[sflag:s16] =	ssyncadd.s32 $0xFFFFE000  }
0x1fe: {  	_ =	swait.ge [sflag:s18], $0x2000  }
0x1ff: {  	[sflag:s18] =	ssyncset.done $0x0  }
0x200: {  	s4 =	rddreg [dreg:$0x13];
	[sflag:s18] =	ssyncadd.s32 $0xFFFFE000  }
0x201: {  	[hbm4b:s4+s3] =	stream.linear.scatter [tilespmem:s13], [sflag:$0xE], $0x2000, $0x38;
	[tilespmem:$0x10400] =	vst v63  }
0x202: {  	_ =	swait.ge [sflag:s19], $0x2000  }
0x203: {  	[sflag:s19] =	ssyncset.done $0x0  }
0x204: {  	[sflag:s19] =	ssyncadd.s32 $0xFFFFE000  }
0x205: {  	_ =	swait.ge [sflag:s20], $0x2000  }
0x206: {  	[sflag:s20] =	ssyncset.done $0x0  }
0x207: {  	s17 =	rddreg [dreg:$0x14];
	[sflag:s20] =	ssyncadd.s32 $0xFFFFE000  }
0x208: {  	[hbm4b:s17+s3] =	stream.linear.scatter [tilespmem:s10], [sflag:$0xF], $0x2000, $0x38;
	[tilespmem:$0x10400] =	vst v63  }
0x209: {  	_ =	swait.ge [sflag:s22], $0x2000  }
0x20a: {  	[sflag:s22] =	ssyncset.done $0x0  }
0x20b: {  	[sflag:s22] =	ssyncadd.s32 $0xFFFFE000  }
0x20c: {  	_ =	swait.ge [sflag:s23], $0x2000  }
0x20d: {  	[sflag:s23] =	ssyncset.done $0x0  }
0x20e: {  	s21 =	rddreg [dreg:$0x15];
	[sflag:s23] =	ssyncadd.s32 $0xFFFFE000  }
0x20f: {  	[hbm4b:s21+s3] =	stream.linear.scatter [tilespmem:s11], [sflag:$0x10], $0x2000, $0x38;
	[tilespmem:$0x10400] =	vst v63  }
0x210: {  	_ =	swait.ge [sflag:s24], $0x2000  }
0x211: {  	[sflag:s24] =	ssyncset.done $0x0  }
0x212: {  	[sflag:s24] =	ssyncadd.s32 $0xFFFFE000  }
0x213: {  	_ =	swait.ge [sflag:s25], $0x2000  }
0x214: {  	[sflag:s25] =	ssyncset.done $0x0  }
0x215: {  	[sflag:s25] =	ssyncadd.s32 $0xFFFFE000  }
0x216: {  	_ =	swait.ge [sflag:s28], $0x2000  }
0x217: {  	[sflag:s28] =	ssyncset.done $0x0  }
0x218: {  	[sflag:s28] =	ssyncadd.s32 $0xFFFFE000  }
0x219: {  	_ =	swait.ge [sflag:s29], $0x2000  }
0x21a: {  	[sflag:s29] =	ssyncset.done $0x0  }
0x21b: {  	[sflag:s29] =	ssyncadd.s32 $0xFFFFE000  }
0x21c: {  	_ =	swait.ge [sflag:s2], $0x2000  }
0x21d: {  	s26 =	rddreg [dreg:$0x17]  }
0x21e: {  	s31 =	rddreg [dreg:$0x16];
	s4 =	sadd.s32 $0x1, s26  }
0x21f: {  	p0 =	sne.s32 s4, s31  }
.Ltmp1:
0x220: {  	_ = 	snop;
	(pc) =	sbr.rel @p0 .LBB2_1-.Ltmp1, $3  }
0x221: {  	_ =	sdelay $0x1  }
0x222: {  	s30 =	simm.s32 $0x3C00;
	s13 =	simm.s32 $0x1400;
	[sflag:s2] =	ssyncset.done $0x0  }
0x223: {  	s17 =	simm.s32 $0x1C00;
	[sflag:s2] =	ssyncadd.s32 $0xFFFFE000;
	s26 =	simm.s32 $0x3400  }
0x224: {  	_ =	sfence.sel $0x180000  }
0x225: {  	[bflag:$0x0] =	sbarrier.arrive $0xFFFF  }
0x226: {  	_ =	strace $0x90000047  }
0x227: {  	s0 =	stileid.u32;
	[bflag:$0x2] =	sbarrier.arrive $0xFFFF  }
0x228: {  	p0 =	sne.s32 s0, $0x0;
	s0 =	rddreg [dreg:$0x3]  }
0x229: {  	s0 =	sadd.s32 @!p0 $0x100000, s0  }
0x22a: {  	[sflag:s0] =	ssyncadd.tile.s32 @!p0 $0x1;
	_ =	shalt  }
.Lfunc_end2:
_tile_overlayer_lowered:
.L_overlay_start_2:
0x22b: {  	(tag) =	ssettag $0x2  }
0x22c: {  	s0 =	rddreg [dreg:$0x0];
	s2 =	stileid.u32  }
0x22d: {  	s1 =	rddreg [dreg:$0x1];
	p0 =	sne.s32 s2, $0x0  }
0x22e: {  	s3 =	rddreg [dreg:$0x2];
	[bflag:$0x3] =	sbarrier.arrive $0xFFFF;
	s2 =	simm.s32 @!p0 $0x1C11  }
0x22f: {  	[timem:s3], [sflag:s2] =	dma.local @!p0 [hbm:s0], s1  }
0x230: {  	s0 =	simm.s32 @!p0 $0x11  }
0x231: {  	_ =	swait.ge @!p0 [sflag:s0], s1  }
0x232: {  	s1 =	ssub.s32 @!p0 $0x0, s1;
	[sflag:s0] =	ssyncset.done @!p0 $0x0  }
0x233: {  	[sflag:s0] =	ssyncadd.s32 @!p0 s1  }
0x234: {  	[bflag:$0x3] =	sbarrier.arrive $0xFFFF  }
0x235: {  	_ =	shalt  }

</sc_bundles>
